<compile_context>
chip_gen: v7x
topology: tpu7x:2x2x1
jax: 0.10.2.dev20260603
libtpu: 0.0.44.dev20260713+nightly
codegen_flags: <defaults>
</compile_context>

<pallas_src>
import functools

import jax
import jax.numpy as jnp
from jax import lax
from jax.experimental import pallas as pl
from jax.experimental.pallas import tpu as pltpu, tpu_sc as plsc

NUM_NODES = 10000
MEMORY_DIM = 64
MSG_DIM = 64
NODE_DIM = 256
EDGE_DIM = 16
TIME_DIM = 16
STATIC_DIM = 64
DYNAMIC_DIM = 64
EMB_DIM = 32
B = 2048
RAW_MSG_DIM = EDGE_DIM + TIME_DIM

NC = 2
NS = 16
NW = NC * NS
BPW = B // NW
NODES_PAD = 10016


def _sc_gather_body(mem_hbm, emb_hbm, src_hbm, dst_hbm,
                    o_sm, o_dm, o_es, o_ed,
                    idx_s, idx_d, r_sm, r_dm, r_es, r_ed, sem):
    wid = lax.axis_index("s") * NC + lax.axis_index("c")
    base = wid * BPW
    pltpu.sync_copy(src_hbm.at[pl.ds(base, BPW)], idx_s)
    pltpu.sync_copy(dst_hbm.at[pl.ds(base, BPW)], idx_d)
    c1 = pltpu.async_copy(mem_hbm.at[idx_s], r_sm, sem)
    c2 = pltpu.async_copy(mem_hbm.at[idx_d], r_dm, sem)
    c3 = pltpu.async_copy(emb_hbm.at[idx_s], r_es, sem)
    c4 = pltpu.async_copy(emb_hbm.at[idx_d], r_ed, sem)
    c1.wait(); c2.wait(); c3.wait(); c4.wait()
    pltpu.sync_copy(r_sm, o_sm.at[pl.ds(base, BPW)])
    pltpu.sync_copy(r_dm, o_dm.at[pl.ds(base, BPW)])
    pltpu.sync_copy(r_es, o_es.at[pl.ds(base, BPW)])
    pltpu.sync_copy(r_ed, o_ed.at[pl.ds(base, BPW)])


def _sc_gather(memory, emb_table, src_i, dst_i):
    mesh = plsc.VectorSubcoreMesh(core_axis_name="c", subcore_axis_name="s")
    f32 = jnp.float32
    run = pl.kernel(
        _sc_gather_body,
        out_type=[
            jax.ShapeDtypeStruct((B, MEMORY_DIM), f32),
            jax.ShapeDtypeStruct((B, MEMORY_DIM), f32),
            jax.ShapeDtypeStruct((B, EMB_DIM), f32),
            jax.ShapeDtypeStruct((B, EMB_DIM), f32),
        ],
        mesh=mesh,
        scratch_types=[
            pltpu.VMEM((BPW,), jnp.int32),
            pltpu.VMEM((BPW,), jnp.int32),
            pltpu.VMEM((BPW, MEMORY_DIM), f32),
            pltpu.VMEM((BPW, MEMORY_DIM), f32),
            pltpu.VMEM((BPW, EMB_DIM), f32),
            pltpu.VMEM((BPW, EMB_DIM), f32),
            pltpu.SemaphoreType.DMA,
        ],
        compiler_params=pltpu.CompilerParams(use_tc_tiling_on_sc=False),
    )
    return run(memory, emb_table, src_i, dst_i)


TB = 1024
GRID1 = B // TB


def _tc_msg_body(tf_ref, ea_ref, sm_ref, dm_ref, wt_ref, bt_ref,
                 w1_ref, b1_ref, eet_ref, bbt_ref, o_ref, a_ref):
    f32 = jnp.float32
    tf = tf_ref[...]
    te = jnp.cos(tf * wt_ref[...] + bt_ref[...])
    raw = jnp.concatenate([ea_ref[...], te], axis=1)
    h = jnp.maximum(
        jnp.dot(raw, w1_ref[...], preferred_element_type=f32)
        + b1_ref[...], 0.0)
    ht = h.T
    xst = jnp.concatenate([sm_ref[...], dm_ref[...]], axis=1).T
    for c in range(64):
        a_ref[c * 128:(c + 1) * 128, :] = (
            ht[c:c + 1, :] * xst).astype(jnp.bfloat16)
    out = jnp.dot(eet_ref[...], a_ref[...], preferred_element_type=f32)
    xdt = jnp.concatenate([xst[MEMORY_DIM:, :], xst[:MEMORY_DIM, :]], axis=0)
    bbt = bbt_ref[...]
    bias_s = jnp.dot(bbt, xst, preferred_element_type=f32)
    bias_d = jnp.dot(bbt, xdt, preferred_element_type=f32)
    o_ref[0, :, :] = (out[0:MSG_DIM, :] + bias_s).T
    o_ref[1, :, :] = (out[MSG_DIM:, :] + bias_d).T


def _tc_messages(tf, edge_attr, src_m, dst_m, w_time, b_time,
                 en_w1, en_b1, en_w2, en_b2):
    eet_s = en_w2.reshape(64, 2 * MEMORY_DIM, MSG_DIM).transpose(2, 0, 1)
    eet_d = en_w2.reshape(64, 2, MEMORY_DIM, MSG_DIM)[:, ::-1].reshape(
        64, 2 * MEMORY_DIM, MSG_DIM).transpose(2, 0, 1)
    eet = jnp.concatenate([eet_s, eet_d], axis=0).reshape(
        2 * MSG_DIM, 2 * MEMORY_DIM * 64)
    bbt = en_b2.reshape(2 * MEMORY_DIM, MSG_DIM).T
    full = lambda shape: pl.BlockSpec(shape, lambda i: (0,) * len(shape))
    out = pl.pallas_call(
        _tc_msg_body,
        grid=(GRID1,),
        in_specs=[
            pl.BlockSpec((TB, 1), lambda i: (i, 0)),
            pl.BlockSpec((TB, EDGE_DIM), lambda i: (i, 0)),
            pl.BlockSpec((TB, MEMORY_DIM), lambda i: (i, 0)),
            pl.BlockSpec((TB, MEMORY_DIM), lambda i: (i, 0)),
            full((1, TIME_DIM)),
            full((1, TIME_DIM)),
            full((RAW_MSG_DIM, 64)),
            full((1, 64)),
            full((2 * MSG_DIM, 2 * MEMORY_DIM * 64)),
            full((MSG_DIM, 2 * MEMORY_DIM)),
        ],
        out_specs=pl.BlockSpec((2, TB, MSG_DIM), lambda i: (0, i, 0)),
        out_shape=jax.ShapeDtypeStruct((2, B, MSG_DIM), jnp.float32),
        scratch_shapes=[pltpu.VMEM((2 * MEMORY_DIM * 64, TB), jnp.bfloat16)],
    )(tf, edge_attr, src_m, dst_m, w_time, b_time, en_w1, en_b1,
      eet.astype(jnp.bfloat16), bbt)
    return out.reshape(2 * B, MSG_DIM)


def _build_last_pos_table(ids_full, tab_v, nb_v):
    iota = lax.iota(jnp.int32, 16)

    def body(it, carry):
        ids = ids_full[pl.ds(it * 16, 16)]
        p = it * 16 + iota
        key = ids * 2048 + p
        key_s = lax.sort(key)
        id_s = lax.shift_right_logical(key_s, 11)
        p_s = jnp.bitwise_and(key_s, 2047)
        nb_v[...] = id_s
        nxt = plsc.load_gather(nb_v, [jnp.minimum(iota + 1, 15)])
        keep = jnp.logical_or(id_s != nxt, iota == 15)
        plsc.store_scatter(tab_v, [id_s], p_s, mask=keep)
        return carry

    lax.fori_loop(0, B // 16, body, 0)


def _winner_chunk(ps_ref, pd_ref, j, t_v):
    ps = ps_ref[pl.ds(j * 16, 16)]
    pd = pd_ref[pl.ds(j * 16, 16)]
    tp = plsc.load_gather(t_v, [jnp.maximum(ps, 0)])
    td = plsc.load_gather(t_v, [jnp.maximum(pd, 0)])
    tp = jnp.where(ps >= 0, tp, -1)
    td = jnp.where(pd >= 0, td, -1)
    return jnp.where(td >= tp, pd + B, ps)


def _sc_agg_body(src_hbm, dst_hbm, t_hbm, neg1_hbm, msgs_hbm, o_as, o_ad,
                 ls_sh, ld_sh, ids_full, tab_v, nb_v, t_v,
                 idx_s, idx_d, ps_s, pd_s, ps_d, pd_d, w_s, w_d,
                 r_s, r_d, sem):
    cid = lax.axis_index("c")
    sid = lax.axis_index("s")
    wid = sid * NC + cid
    base = wid * BPW

    pltpu.sync_copy(t_hbm, t_v)
    pltpu.sync_copy(src_hbm.at[pl.ds(base, BPW)], idx_s)
    pltpu.sync_copy(dst_hbm.at[pl.ds(base, BPW)], idx_d)

    @pl.when(sid == 0)
    def _():
        pltpu.sync_copy(src_hbm, ids_full)
        pltpu.sync_copy(neg1_hbm, tab_v)
        _build_last_pos_table(ids_full, tab_v, nb_v)
        pltpu.sync_copy(tab_v, ls_sh)

    @pl.when(sid == 1)
    def _():
        pltpu.sync_copy(dst_hbm, ids_full)
        pltpu.sync_copy(neg1_hbm, tab_v)
        _build_last_pos_table(ids_full, tab_v, nb_v)
        pltpu.sync_copy(tab_v, ld_sh)

    plsc.subcore_barrier()

    c1 = pltpu.async_copy(ls_sh.at[idx_s], ps_s, sem)
    c2 = pltpu.async_copy(ld_sh.at[idx_s], pd_s, sem)
    c3 = pltpu.async_copy(ls_sh.at[idx_d], ps_d, sem)
    c4 = pltpu.async_copy(ld_sh.at[idx_d], pd_d, sem)
    c1.wait(); c2.wait(); c3.wait(); c4.wait()

    for j in range(BPW // 16):
        w_s[pl.ds(j * 16, 16)] = _winner_chunk(ps_s, pd_s, j, t_v)
        w_d[pl.ds(j * 16, 16)] = _winner_chunk(ps_d, pd_d, j, t_v)

    c1 = pltpu.async_copy(msgs_hbm.at[w_s], r_s, sem)
    c2 = pltpu.async_copy(msgs_hbm.at[w_d], r_d, sem)
    c1.wait(); c2.wait()
    pltpu.sync_copy(r_s, o_as.at[pl.ds(base, BPW)])
    pltpu.sync_copy(r_d, o_ad.at[pl.ds(base, BPW)])


def _sc_aggregate(src_i, dst_i, t_i, msgs):
    mesh = plsc.VectorSubcoreMesh(core_axis_name="c", subcore_axis_name="s")
    f32 = jnp.float32
    i32 = jnp.int32
    neg1 = jnp.full((NODES_PAD,), -1, i32)
    run = pl.kernel(
        _sc_agg_body,
        out_type=[
            jax.ShapeDtypeStruct((B, MSG_DIM), f32),
            jax.ShapeDtypeStruct((B, MSG_DIM), f32),
        ],
        mesh=mesh,
        scratch_types=[
            pltpu.VMEM_SHARED((NODES_PAD,), i32),
            pltpu.VMEM_SHARED((NODES_PAD,), i32),
            pltpu.VMEM((B,), i32),
            pltpu.VMEM((NODES_PAD,), i32),
            pltpu.VMEM((16,), i32),
            pltpu.VMEM((B,), i32),
            pltpu.VMEM((BPW,), i32),
            pltpu.VMEM((BPW,), i32),
            pltpu.VMEM((BPW,), i32),
            pltpu.VMEM((BPW,), i32),
            pltpu.VMEM((BPW,), i32),
            pltpu.VMEM((BPW,), i32),
            pltpu.VMEM((BPW,), i32),
            pltpu.VMEM((BPW,), i32),
            pltpu.VMEM((BPW, MSG_DIM), f32),
            pltpu.VMEM((BPW, MSG_DIM), f32),
            pltpu.SemaphoreType.DMA,
        ],
        compiler_params=pltpu.CompilerParams(use_tc_tiling_on_sc=False,
                                             needs_layout_passes=False),
    )
    return run(src_i, dst_i, t_i, neg1, msgs)


TB2 = 1024
GRID2 = B // TB2


def _tc_readout_body(as_ref, ad_ref, sm_ref, dm_ref, sst_ref, dst_ref,
                     se_ref, de_ref, sdy_ref, ddy_ref, ea_ref,
                     wi_ref, wh_ref, bi_ref, bh_ref,
                     m1_ref, mb1_ref, m2_ref, mb2_ref,
                     pws_ref, pwd_ref, pwe_ref, pb_ref, o_ref):
    f32 = jnp.float32
    agg = jnp.concatenate([as_ref[...], ad_ref[...]], axis=0)
    mem = jnp.concatenate([sm_ref[...], dm_ref[...]], axis=0)
    gi = jnp.dot(agg, wi_ref[...], preferred_element_type=f32) + bi_ref[...]
    gh = jnp.dot(mem, wh_ref[...], preferred_element_type=f32) + bh_ref[...]
    M = MEMORY_DIM
    r = jax.nn.sigmoid(gi[:, 0:M] + gh[:, 0:M])
    z = jax.nn.sigmoid(gi[:, M:2 * M] + gh[:, M:2 * M])
    n = jnp.tanh(gi[:, 2 * M:3 * M] + r * gh[:, 2 * M:3 * M])
    upd = (1.0 - z) * n + z * mem
    st = jnp.concatenate([sst_ref[...], dst_ref[...]], axis=0)
    emb = jnp.concatenate([se_ref[...], de_ref[...]], axis=0)
    dyn = jnp.concatenate([sdy_ref[...], ddy_ref[...]], axis=0)
    full = jnp.concatenate([upd, st, emb, dyn], axis=1).astype(jnp.bfloat16)
    h1 = jnp.maximum(
        jnp.dot(full, m1_ref[...], preferred_element_type=f32) + mb1_ref[...],
        0.0)
    e = jnp.dot(h1.astype(jnp.bfloat16), m2_ref[...],
                preferred_element_type=f32) + mb2_ref[...]
    es = e[0:TB2, :]
    ed = e[TB2:2 * TB2, :]
    pred = (jnp.dot(es, pws_ref[...], preferred_element_type=f32)
            + jnp.dot(ed, pwd_ref[...], preferred_element_type=f32)
            + jnp.dot(ea_ref[...], pwe_ref[...], preferred_element_type=f32)
            + pb_ref[...])
    o_ref[...] = pred


def _tc_readout(agg_s, agg_d, src_m, dst_m, src_static, dst_static,
                emb_s, emb_d, src_dynamic, dst_dynamic, edge_attr,
                gru_wi, gru_wh, gru_bi, gru_bh,
                mlp_w1, mlp_b1, mlp_w2, mlp_b2, pw_s, pw_d, pw_e, pred_b):
    f32 = jnp.float32
    full = lambda shape: pl.BlockSpec(shape, lambda i: (0,) * len(shape))
    row = lambda d: pl.BlockSpec((TB2, d), lambda i: (i, 0))
    return pl.pallas_call(
        _tc_readout_body,
        grid=(GRID2,),
        in_specs=[
            row(MSG_DIM), row(MSG_DIM),
            row(MEMORY_DIM), row(MEMORY_DIM),
            row(STATIC_DIM), row(STATIC_DIM),
            row(EMB_DIM), row(EMB_DIM),
            row(DYNAMIC_DIM), row(DYNAMIC_DIM),
            row(EDGE_DIM),
            full((MSG_DIM, 3 * MEMORY_DIM)),
            full((MEMORY_DIM, 3 * MEMORY_DIM)),
            full((1, 3 * MEMORY_DIM)),
            full((1, 3 * MEMORY_DIM)),
            full((MEMORY_DIM + STATIC_DIM + EMB_DIM + DYNAMIC_DIM, NODE_DIM)),
            full((1, NODE_DIM)),
            full((NODE_DIM, NODE_DIM)),
            full((1, NODE_DIM)),
            full((NODE_DIM, 1)),
            full((NODE_DIM, 1)),
            full((EDGE_DIM, 1)),
            full((1, 1)),
        ],
        out_specs=pl.BlockSpec((TB2, 1), lambda i: (i, 0)),
        out_shape=jax.ShapeDtypeStruct((B, 1), f32),
    )(agg_s, agg_d, src_m, dst_m, src_static, dst_static,
      emb_s, emb_d, src_dynamic, dst_dynamic, edge_attr,
      gru_wi, gru_wh, gru_bi, gru_bh,
      mlp_w1.astype(jnp.bfloat16), mlp_b1, mlp_w2.astype(jnp.bfloat16),
      mlp_b2, pw_s, pw_d, pw_e, pred_b)


def kernel(src, dst, t, edge_attr, src_static, dst_static, src_dynamic,
           dst_dynamic, memory, last_update, w_time, b_time, en_w1, en_b1,
           en_w2, en_b2, gru_wi, gru_wh, gru_bi, gru_bh, emb_table,
           mlp_w1, mlp_b1, mlp_w2, mlp_b2, pred_w, pred_b):
    i32 = jnp.int32
    f32 = jnp.float32
    src_i = src.astype(i32)
    dst_i = dst.astype(i32)
    t_i = t.astype(i32)

    src_m, dst_m, emb_s, emb_d = _sc_gather(memory, emb_table, src_i, dst_i)

    tf = t_i.astype(f32).reshape(B, 1)
    msgs = _tc_messages(tf, edge_attr, src_m, dst_m,
                        w_time.reshape(1, TIME_DIM),
                        b_time.reshape(1, TIME_DIM),
                        en_w1, en_b1.reshape(1, 64),
                        en_w2, en_b2.reshape(1, 2 * MEMORY_DIM * MSG_DIM))

    agg_s, agg_d = _sc_aggregate(src_i, dst_i, t_i, msgs)

    pred = _tc_readout(
        agg_s, agg_d, src_m, dst_m, src_static, dst_static,
        emb_s, emb_d, src_dynamic, dst_dynamic, edge_attr,
        gru_wi, gru_wh, gru_bi.reshape(1, 3 * MEMORY_DIM),
        gru_bh.reshape(1, 3 * MEMORY_DIM),
        mlp_w1, mlp_b1.reshape(1, NODE_DIM), mlp_w2,
        mlp_b2.reshape(1, NODE_DIM),
        pred_w[0:NODE_DIM], pred_w[NODE_DIM:2 * NODE_DIM],
        pred_w[2 * NODE_DIM:], pred_b.reshape(1, 1))
    return pred

# --- scband reference (transcript-rebuilt; emitter-appended) ---
"""Pipeline reference for scband-tennis-tgn-17343077941948 (READ-ONLY COPY).

The authoritative reference and input builder live on the scoring server;
editing this copy changes nothing except your own understanding.
"""

import jax, jax.numpy as jnp
import numpy as np

NUM_NODES = 10000
MEMORY_DIM = 64
MSG_DIM = 64
NODE_DIM = 256
EDGE_DIM = 16
TIME_DIM = 16
STATIC_DIM = 64
DYNAMIC_DIM = 64
EMB_DIM = 32
OUT_DIM = 1
B = 2048
RAW_MSG_DIM = EDGE_DIM + TIME_DIM


def setup_inputs(seed: int = 0):
    key = jax.random.key(seed)
    ks = jax.random.split(key, 32)
    def g(i, shape, scale=1.0):
        return jax.random.normal(ks[i], shape, dtype=jnp.float32) * scale
    inp = {}
    inp["src"] = jax.random.randint(ks[0], (B,), 0, NUM_NODES)
    inp["dst"] = jax.random.randint(ks[1], (B,), 0, NUM_NODES)
    inp["t"] = jnp.sort(jax.random.randint(ks[2], (B,), 0, 100000))
    inp["edge_attr"] = g(3, (B, EDGE_DIM))
    inp["src_static"] = g(4, (B, STATIC_DIM))
    inp["dst_static"] = g(5, (B, STATIC_DIM))
    inp["src_dynamic"] = g(6, (B, DYNAMIC_DIM))
    inp["dst_dynamic"] = g(7, (B, DYNAMIC_DIM))
    # module state
    inp["memory"] = g(8, (NUM_NODES, MEMORY_DIM), 0.1)
    inp["last_update"] = jnp.zeros((NUM_NODES,), dtype=jnp.int32)
    # TimeEncoder params (cos(Linear(t)))
    inp["w_time"] = g(9, (1, TIME_DIM), 0.001)
    inp["b_time"] = g(10, (TIME_DIM,), 0.1)
    # ECCMessage edge_network: Linear(RAW_MSG_DIM,64) -> ReLU -> Linear(64, 2*MEM*MSG)
    inp["en_w1"] = g(11, (RAW_MSG_DIM, 64), 0.1)
    inp["en_b1"] = g(12, (64,), 0.01)
    inp["en_w2"] = g(13, (64, 2 * MEMORY_DIM * MSG_DIM), 0.02)
    inp["en_b2"] = g(14, (2 * MEMORY_DIM * MSG_DIM,), 0.01)
    # GRUCell of TGNMemory
    inp["gru_wi"] = g(15, (MSG_DIM, 3 * MEMORY_DIM), 0.1)
    inp["gru_wh"] = g(16, (MEMORY_DIM, 3 * MEMORY_DIM), 0.1)
    inp["gru_bi"] = g(17, (3 * MEMORY_DIM,), 0.01)
    inp["gru_bh"] = g(18, (3 * MEMORY_DIM,), 0.01)
    # learned node embedding
    inp["emb_table"] = g(19, (NUM_NODES, EMB_DIM), 0.1)
    # node_mlp
    inp["mlp_w1"] = g(20, (MEMORY_DIM + STATIC_DIM + EMB_DIM + DYNAMIC_DIM, NODE_DIM), 0.05)
    inp["mlp_b1"] = g(21, (NODE_DIM,), 0.01)
    inp["mlp_w2"] = g(22, (NODE_DIM, NODE_DIM), 0.05)
    inp["mlp_b2"] = g(23, (NODE_DIM,), 0.01)
    # predictor
    inp["pred_w"] = g(24, (2 * NODE_DIM + EDGE_DIM, OUT_DIM), 0.05)
    inp["pred_b"] = g(25, (OUT_DIM,), 0.01)
    return inp


def reference(src, dst, t, edge_attr, src_static, dst_static, src_dynamic, dst_dynamic,
              memory, last_update, w_time, b_time, en_w1, en_b1, en_w2, en_b2,
              gru_wi, gru_wh, gru_bi, gru_bh, emb_table,
              mlp_w1, mlp_b1, mlp_w2, mlp_b2, pred_w, pred_b):
    t = t.astype(jnp.int32)
    tf = t.astype(jnp.float32)[:, None]
    time_enc = jnp.cos(tf @ w_time + b_time)
    raw_msg = jnp.concatenate([edge_attr, time_enc], axis=-1)
    # --- ECCMessage: per-edge weight generation ---
    h = jax.nn.relu(raw_msg @ en_w1 + en_b1)
    W = (h @ en_w2 + en_b2).reshape(-1, 2 * MEMORY_DIM, MSG_DIM)
    src_m = memory[src]
    dst_m = memory[dst]
    x_s = jnp.concatenate([src_m, dst_m], axis=-1)[:, None, :]
    msg_s = jnp.squeeze(jnp.matmul(x_s, W), axis=1)  # messages delivered to src nodes
    x_d = jnp.concatenate([dst_m, src_m], axis=-1)[:, None, :]
    msg_d = jnp.squeeze(jnp.matmul(x_d, W), axis=1)  # messages delivered to dst nodes
    # --- LastAggregator: per node keep message with latest (t, position) ---
    idx = jnp.concatenate([src, dst]).astype(jnp.int32)
    msgs = jnp.concatenate([msg_s, msg_d], axis=0)
    t_all = jnp.concatenate([t, t])
    n_tot = idx.shape[0]
    pos = jnp.arange(n_tot, dtype=jnp.int32)
    key_ = t_all * n_tot + pos
    max_key = jax.ops.segment_max(key_, idx, num_segments=NUM_NODES)
    winner = (key_ == max_key[idx]).astype(jnp.float32)
    agg = jnp.zeros((NUM_NODES, MSG_DIM), dtype=jnp.float32).at[idx].add(msgs * winner[:, None])
    has_msg = jnp.zeros((NUM_NODES,), dtype=jnp.float32).at[idx].add(winner) > 0
    # --- GRU memory update ---
    gi = agg @ gru_wi + gru_bi
    gh = memory @ gru_wh + gru_bh
    ir, iz, inn = jnp.split(gi, 3, axis=-1)
    hr, hz, hn = jnp.split(gh, 3, axis=-1)
    r = jax.nn.sigmoid(ir + hr)
    z = jax.nn.sigmoid(iz + hz)
    n = jnp.tanh(inn + r * hn)
    upd = (1.0 - z) * n + z * memory
    memory_new = jnp.where(has_msg[:, None], upd, memory)
    # --- readout (memory detached, as in the torch module) ---
    src_mem = jax.lax.stop_gradient(memory_new[src])
    dst_mem = jax.lax.stop_gradient(memory_new[dst])
    src_learned = emb_table[src]
    dst_learned = emb_table[dst]
    src_full = jnp.concatenate([src_mem, src_static, src_learned, src_dynamic], axis=-1)
    dst_full = jnp.concatenate([dst_mem, dst_static, dst_learned, dst_dynamic], axis=-1)
    def mlp(x):
        return jax.nn.relu(x @ mlp_w1 + mlp_b1) @ mlp_w2 + mlp_b2
    src_embed = mlp(src_full)
    dst_embed = mlp(dst_full)
    pred = jnp.concatenate([src_embed, dst_embed, edge_attr], axis=-1) @ pred_w + pred_b
    return pred


if False:  # reference __main__ guard neutralized (emitter)
    out = reference(**setup_inputs())
    print(out.shape)

if __name__ == "__main__":
    import jax
    _d = setup_inputs()
    print(jax.jit(kernel)(*tuple(_d.values())))

</pallas_src>

<mosaic_0001>
#map = affine_map<(d0, d1) -> (0, 0)>
#map1 = affine_map<(d0, d1) -> (0)>
module attributes {stable_mosaic.version = 14 : i64} {
  func.func @_sc_gather_body(%arg0: i32, %arg1: i32, %arg2: memref<10000x64xf32, #tpu.memory_space<hbm>>, %arg3: memref<10000x32xf32, #tpu.memory_space<hbm>>, %arg4: memref<2048xi32, #tpu.memory_space<hbm>>, %arg5: memref<2048xi32, #tpu.memory_space<hbm>>, %arg6: memref<2048x64xf32, #tpu.memory_space<hbm>>, %arg7: memref<2048x64xf32, #tpu.memory_space<hbm>>, %arg8: memref<2048x32xf32, #tpu.memory_space<hbm>>, %arg9: memref<2048x32xf32, #tpu.memory_space<hbm>>, %arg10: memref<64xi32, #tpu.memory_space<vmem>>, %arg11: memref<64xi32, #tpu.memory_space<vmem>>, %arg12: memref<64x64xf32, #tpu.memory_space<vmem>>, %arg13: memref<64x64xf32, #tpu.memory_space<vmem>>, %arg14: memref<64x32xf32, #tpu.memory_space<vmem>>, %arg15: memref<64x32xf32, #tpu.memory_space<vmem>>, %arg16: memref<!tpu.dma_semaphore, #tpu.memory_space<semaphore_mem>>) attributes {dimension_semantics = [#tpu.dimension_semantics<core_parallel>, #tpu.dimension_semantics<subcore_parallel>], iteration_bounds = array<i64: 2, 16>, scalar_prefetch = 0 : i64, scratch_operands = 7 : i64, tpu.core_type = #tpu.core_type<sc_vector_subcore>, window_params = [{transform_indices = #map}, {transform_indices = #map}, {transform_indices = #map1}, {transform_indices = #map1}, {transform_indices = #map}, {transform_indices = #map}, {transform_indices = #map}, {transform_indices = #map}]} {
    %mul3A = arith.constant 2 : i32
    %mul3A_0 = arith.muli %arg1, %mul3A : i32
    %add3A = arith.addi %mul3A_0, %arg0 : i32
    %mul3A_1 = arith.constant 64 : i32
    %mul3A_2 = arith.muli %add3A, %mul3A_1 : i32
    "tpu.region"() ({
      %run_scoped3A = tpu.sem_alloc : memref<!tpu.dma_semaphore, #tpu.memory_space<semaphore_mem>>
      %dma_start3A_25 = tpu.memref_slice %arg4[%mul3A_2] : memref<2048xi32, #tpu.memory_space<hbm>> -> memref<64xi32, #tpu.memory_space<hbm>>
      %dma_start3A_26 = tpu.memref_slice %arg4[%mul3A_2] : memref<2048xi32, #tpu.memory_space<hbm>> -> memref<64xi32, #tpu.memory_space<hbm>>
      tpu.enqueue_dma source(%dma_start3A_26 : memref<64xi32, #tpu.memory_space<hbm>>) target(%arg10 : memref<64xi32, #tpu.memory_space<vmem>>) target_semaphore(%run_scoped3A : memref<!tpu.dma_semaphore, #tpu.memory_space<semaphore_mem>>)
      %dma_wait3A_27 = tpu.memref_slice %arg4[%mul3A_2] : memref<2048xi32, #tpu.memory_space<hbm>> -> memref<64xi32, #tpu.memory_space<hbm>>
      %dma_wait3A_28 = tpu.memref_slice %arg4[%mul3A_2] : memref<2048xi32, #tpu.memory_space<hbm>> -> memref<64xi32, #tpu.memory_space<hbm>>
      tpu.wait_dma2 semaphore(%run_scoped3A : memref<!tpu.dma_semaphore, #tpu.memory_space<semaphore_mem>>) src(%dma_wait3A_28 : memref<64xi32, #tpu.memory_space<hbm>>) dst(%arg10 : memref<64xi32, #tpu.memory_space<vmem>>)
      tpu.yield
    }) : () -> ()
    "tpu.region"() ({
      %run_scoped3A = tpu.sem_alloc : memref<!tpu.dma_semaphore, #tpu.memory_space<semaphore_mem>>
      %dma_start3A_25 = tpu.memref_slice %arg5[%mul3A_2] : memref<2048xi32, #tpu.memory_space<hbm>> -> memref<64xi32, #tpu.memory_space<hbm>>
      %dma_start3A_26 = tpu.memref_slice %arg5[%mul3A_2] : memref<2048xi32, #tpu.memory_space<hbm>> -> memref<64xi32, #tpu.memory_space<hbm>>
      tpu.enqueue_dma source(%dma_start3A_26 : memref<64xi32, #tpu.memory_space<hbm>>) target(%arg11 : memref<64xi32, #tpu.memory_space<vmem>>) target_semaphore(%run_scoped3A : memref<!tpu.dma_semaphore, #tpu.memory_space<semaphore_mem>>)
      %dma_wait3A_27 = tpu.memref_slice %arg5[%mul3A_2] : memref<2048xi32, #tpu.memory_space<hbm>> -> memref<64xi32, #tpu.memory_space<hbm>>
      %dma_wait3A_28 = tpu.memref_slice %arg5[%mul3A_2] : memref<2048xi32, #tpu.memory_space<hbm>> -> memref<64xi32, #tpu.memory_space<hbm>>
      tpu.wait_dma2 semaphore(%run_scoped3A : memref<!tpu.dma_semaphore, #tpu.memory_space<semaphore_mem>>) src(%dma_wait3A_28 : memref<64xi32, #tpu.memory_space<hbm>>) dst(%arg11 : memref<64xi32, #tpu.memory_space<vmem>>)
      tpu.yield
    }) : () -> ()
    %dma_start3A = arith.constant 0 : i32
    %dma_start3A_3 = arith.constant 0 : i32
    %dma_start3A_4 = tpu.memref_slice %arg2[%dma_start3A, %dma_start3A_3] : memref<10000x64xf32, #tpu.memory_space<hbm>> -> memref<10000x64xf32, #tpu.memory_space<hbm>>
    tpu.enqueue_indirect_dma source(%dma_start3A_4 : memref<10000x64xf32, #tpu.memory_space<hbm>>) target(%arg12 : memref<64x64xf32, #tpu.memory_space<vmem>>) offsets(%arg10 : memref<64xi32, #tpu.memory_space<vmem>>) semaphore(%arg16 : memref<!tpu.dma_semaphore, #tpu.memory_space<semaphore_mem>>)
    %dma_start3A_5 = arith.constant 0 : i32
    %dma_start3A_6 = arith.constant 0 : i32
    %dma_start3A_7 = tpu.memref_slice %arg2[%dma_start3A_5, %dma_start3A_6] : memref<10000x64xf32, #tpu.memory_space<hbm>> -> memref<10000x64xf32, #tpu.memory_space<hbm>>
    tpu.enqueue_indirect_dma source(%dma_start3A_7 : memref<10000x64xf32, #tpu.memory_space<hbm>>) target(%arg13 : memref<64x64xf32, #tpu.memory_space<vmem>>) offsets(%arg11 : memref<64xi32, #tpu.memory_space<vmem>>) semaphore(%arg16 : memref<!tpu.dma_semaphore, #tpu.memory_space<semaphore_mem>>)
    %dma_start3A_8 = arith.constant 0 : i32
    %dma_start3A_9 = arith.constant 0 : i32
    %dma_start3A_10 = tpu.memref_slice %arg3[%dma_start3A_8, %dma_start3A_9] : memref<10000x32xf32, #tpu.memory_space<hbm>> -> memref<10000x32xf32, #tpu.memory_space<hbm>>
    tpu.enqueue_indirect_dma source(%dma_start3A_10 : memref<10000x32xf32, #tpu.memory_space<hbm>>) target(%arg14 : memref<64x32xf32, #tpu.memory_space<vmem>>) offsets(%arg10 : memref<64xi32, #tpu.memory_space<vmem>>) semaphore(%arg16 : memref<!tpu.dma_semaphore, #tpu.memory_space<semaphore_mem>>)
    %dma_start3A_11 = arith.constant 0 : i32
    %dma_start3A_12 = arith.constant 0 : i32
    %dma_start3A_13 = tpu.memref_slice %arg3[%dma_start3A_11, %dma_start3A_12] : memref<10000x32xf32, #tpu.memory_space<hbm>> -> memref<10000x32xf32, #tpu.memory_space<hbm>>
    tpu.enqueue_indirect_dma source(%dma_start3A_13 : memref<10000x32xf32, #tpu.memory_space<hbm>>) target(%arg15 : memref<64x32xf32, #tpu.memory_space<vmem>>) offsets(%arg11 : memref<64xi32, #tpu.memory_space<vmem>>) semaphore(%arg16 : memref<!tpu.dma_semaphore, #tpu.memory_space<semaphore_mem>>)
    %dma_wait3A = arith.constant 0 : i32
    %dma_wait3A_14 = arith.constant 0 : i32
    %dma_wait3A_15 = tpu.memref_slice %arg2[%dma_wait3A, %dma_wait3A_14] : memref<10000x64xf32, #tpu.memory_space<hbm>> -> memref<10000x64xf32, #tpu.memory_space<hbm>>
    tpu.wait_indirect_dma semaphore(%arg16 : memref<!tpu.dma_semaphore, #tpu.memory_space<semaphore_mem>>) src(%dma_wait3A_15 : memref<10000x64xf32, #tpu.memory_space<hbm>>) dst(%arg12 : memref<64x64xf32, #tpu.memory_space<vmem>>)
    %dma_wait3A_16 = arith.constant 0 : i32
    %dma_wait3A_17 = arith.constant 0 : i32
    %dma_wait3A_18 = tpu.memref_slice %arg2[%dma_wait3A_16, %dma_wait3A_17] : memref<10000x64xf32, #tpu.memory_space<hbm>> -> memref<10000x64xf32, #tpu.memory_space<hbm>>
    tpu.wait_indirect_dma semaphore(%arg16 : memref<!tpu.dma_semaphore, #tpu.memory_space<semaphore_mem>>) src(%dma_wait3A_18 : memref<10000x64xf32, #tpu.memory_space<hbm>>) dst(%arg13 : memref<64x64xf32, #tpu.memory_space<vmem>>)
    %dma_wait3A_19 = arith.constant 0 : i32
    %dma_wait3A_20 = arith.constant 0 : i32
    %dma_wait3A_21 = tpu.memref_slice %arg3[%dma_wait3A_19, %dma_wait3A_20] : memref<10000x32xf32, #tpu.memory_space<hbm>> -> memref<10000x32xf32, #tpu.memory_space<hbm>>
    tpu.wait_indirect_dma semaphore(%arg16 : memref<!tpu.dma_semaphore, #tpu.memory_space<semaphore_mem>>) src(%dma_wait3A_21 : memref<10000x32xf32, #tpu.memory_space<hbm>>) dst(%arg14 : memref<64x32xf32, #tpu.memory_space<vmem>>)
    %dma_wait3A_22 = arith.constant 0 : i32
    %dma_wait3A_23 = arith.constant 0 : i32
    %dma_wait3A_24 = tpu.memref_slice %arg3[%dma_wait3A_22, %dma_wait3A_23] : memref<10000x32xf32, #tpu.memory_space<hbm>> -> memref<10000x32xf32, #tpu.memory_space<hbm>>
    tpu.wait_indirect_dma semaphore(%arg16 : memref<!tpu.dma_semaphore, #tpu.memory_space<semaphore_mem>>) src(%dma_wait3A_24 : memref<10000x32xf32, #tpu.memory_space<hbm>>) dst(%arg15 : memref<64x32xf32, #tpu.memory_space<vmem>>)
    "tpu.region"() ({
      %run_scoped3A = tpu.sem_alloc : memref<!tpu.dma_semaphore, #tpu.memory_space<semaphore_mem>>
      %dma_start3A_25 = arith.constant 0 : i32
      %dma_start3A_26 = tpu.memref_slice %arg6[%mul3A_2, %dma_start3A_25] : memref<2048x64xf32, #tpu.memory_space<hbm>> -> memref<64x64xf32, #tpu.memory_space<hbm>>
      %dma_start3A_27 = arith.constant 0 : i32
      %dma_start3A_28 = tpu.memref_slice %arg6[%mul3A_2, %dma_start3A_27] : memref<2048x64xf32, #tpu.memory_space<hbm>> -> memref<64x64xf32, #tpu.memory_space<hbm>>
      tpu.enqueue_dma source(%arg12 : memref<64x64xf32, #tpu.memory_space<vmem>>) target(%dma_start3A_28 : memref<64x64xf32, #tpu.memory_space<hbm>>) target_semaphore(%run_scoped3A : memref<!tpu.dma_semaphore, #tpu.memory_space<semaphore_mem>>)
      %dma_wait3A_29 = arith.constant 0 : i32
      %dma_wait3A_30 = tpu.memref_slice %arg6[%mul3A_2, %dma_wait3A_29] : memref<2048x64xf32, #tpu.memory_space<hbm>> -> memref<64x64xf32, #tpu.memory_space<hbm>>
      %dma_wait3A_31 = arith.constant 0 : i32
      %dma_wait3A_32 = tpu.memref_slice %arg6[%mul3A_2, %dma_wait3A_31] : memref<2048x64xf32, #tpu.memory_space<hbm>> -> memref<64x64xf32, #tpu.memory_space<hbm>>
      tpu.wait_dma2 semaphore(%run_scoped3A : memref<!tpu.dma_semaphore, #tpu.memory_space<semaphore_mem>>) src(%arg12 : memref<64x64xf32, #tpu.memory_space<vmem>>) dst(%dma_wait3A_32 : memref<64x64xf32, #tpu.memory_space<hbm>>)
      tpu.yield
    }) : () -> ()
    "tpu.region"() ({
      %run_scoped3A = tpu.sem_alloc : memref<!tpu.dma_semaphore, #tpu.memory_space<semaphore_mem>>
      %dma_start3A_25 = arith.constant 0 : i32
      %dma_start3A_26 = tpu.memref_slice %arg7[%mul3A_2, %dma_start3A_25] : memref<2048x64xf32, #tpu.memory_space<hbm>> -> memref<64x64xf32, #tpu.memory_space<hbm>>
      %dma_start3A_27 = arith.constant 0 : i32
      %dma_start3A_28 = tpu.memref_slice %arg7[%mul3A_2, %dma_start3A_27] : memref<2048x64xf32, #tpu.memory_space<hbm>> -> memref<64x64xf32, #tpu.memory_space<hbm>>
      tpu.enqueue_dma source(%arg13 : memref<64x64xf32, #tpu.memory_space<vmem>>) target(%dma_start3A_28 : memref<64x64xf32, #tpu.memory_space<hbm>>) target_semaphore(%run_scoped3A : memref<!tpu.dma_semaphore, #tpu.memory_space<semaphore_mem>>)
      %dma_wait3A_29 = arith.constant 0 : i32
      %dma_wait3A_30 = tpu.memref_slice %arg7[%mul3A_2, %dma_wait3A_29] : memref<2048x64xf32, #tpu.memory_space<hbm>> -> memref<64x64xf32, #tpu.memory_space<hbm>>
      %dma_wait3A_31 = arith.constant 0 : i32
      %dma_wait3A_32 = tpu.memref_slice %arg7[%mul3A_2, %dma_wait3A_31] : memref<2048x64xf32, #tpu.memory_space<hbm>> -> memref<64x64xf32, #tpu.memory_space<hbm>>
      tpu.wait_dma2 semaphore(%run_scoped3A : memref<!tpu.dma_semaphore, #tpu.memory_space<semaphore_mem>>) src(%arg13 : memref<64x64xf32, #tpu.memory_space<vmem>>) dst(%dma_wait3A_32 : memref<64x64xf32, #tpu.memory_space<hbm>>)
      tpu.yield
    }) : () -> ()
    "tpu.region"() ({
      %run_scoped3A = tpu.sem_alloc : memref<!tpu.dma_semaphore, #tpu.memory_space<semaphore_mem>>
      %dma_start3A_25 = arith.constant 0 : i32
      %dma_start3A_26 = tpu.memref_slice %arg8[%mul3A_2, %dma_start3A_25] : memref<2048x32xf32, #tpu.memory_space<hbm>> -> memref<64x32xf32, #tpu.memory_space<hbm>>
      %dma_start3A_27 = arith.constant 0 : i32
      %dma_start3A_28 = tpu.memref_slice %arg8[%mul3A_2, %dma_start3A_27] : memref<2048x32xf32, #tpu.memory_space<hbm>> -> memref<64x32xf32, #tpu.memory_space<hbm>>
      tpu.enqueue_dma source(%arg14 : memref<64x32xf32, #tpu.memory_space<vmem>>) target(%dma_start3A_28 : memref<64x32xf32, #tpu.memory_space<hbm>>) target_semaphore(%run_scoped3A : memref<!tpu.dma_semaphore, #tpu.memory_space<semaphore_mem>>)
      %dma_wait3A_29 = arith.constant 0 : i32
      %dma_wait3A_30 = tpu.memref_slice %arg8[%mul3A_2, %dma_wait3A_29] : memref<2048x32xf32, #tpu.memory_space<hbm>> -> memref<64x32xf32, #tpu.memory_space<hbm>>
      %dma_wait3A_31 = arith.constant 0 : i32
      %dma_wait3A_32 = tpu.memref_slice %arg8[%mul3A_2, %dma_wait3A_31] : memref<2048x32xf32, #tpu.memory_space<hbm>> -> memref<64x32xf32, #tpu.memory_space<hbm>>
      tpu.wait_dma2 semaphore(%run_scoped3A : memref<!tpu.dma_semaphore, #tpu.memory_space<semaphore_mem>>) src(%arg14 : memref<64x32xf32, #tpu.memory_space<vmem>>) dst(%dma_wait3A_32 : memref<64x32xf32, #tpu.memory_space<hbm>>)
      tpu.yield
    }) : () -> ()
    "tpu.region"() ({
      %run_scoped3A = tpu.sem_alloc : memref<!tpu.dma_semaphore, #tpu.memory_space<semaphore_mem>>
      %dma_start3A_25 = arith.constant 0 : i32
      %dma_start3A_26 = tpu.memref_slice %arg9[%mul3A_2, %dma_start3A_25] : memref<2048x32xf32, #tpu.memory_space<hbm>> -> memref<64x32xf32, #tpu.memory_space<hbm>>
      %dma_start3A_27 = arith.constant 0 : i32
      %dma_start3A_28 = tpu.memref_slice %arg9[%mul3A_2, %dma_start3A_27] : memref<2048x32xf32, #tpu.memory_space<hbm>> -> memref<64x32xf32, #tpu.memory_space<hbm>>
      tpu.enqueue_dma source(%arg15 : memref<64x32xf32, #tpu.memory_space<vmem>>) target(%dma_start3A_28 : memref<64x32xf32, #tpu.memory_space<hbm>>) target_semaphore(%run_scoped3A : memref<!tpu.dma_semaphore, #tpu.memory_space<semaphore_mem>>)
      %dma_wait3A_29 = arith.constant 0 : i32
      %dma_wait3A_30 = tpu.memref_slice %arg9[%mul3A_2, %dma_wait3A_29] : memref<2048x32xf32, #tpu.memory_space<hbm>> -> memref<64x32xf32, #tpu.memory_space<hbm>>
      %dma_wait3A_31 = arith.constant 0 : i32
      %dma_wait3A_32 = tpu.memref_slice %arg9[%mul3A_2, %dma_wait3A_31] : memref<2048x32xf32, #tpu.memory_space<hbm>> -> memref<64x32xf32, #tpu.memory_space<hbm>>
      tpu.wait_dma2 semaphore(%run_scoped3A : memref<!tpu.dma_semaphore, #tpu.memory_space<semaphore_mem>>) src(%arg15 : memref<64x32xf32, #tpu.memory_space<vmem>>) dst(%dma_wait3A_32 : memref<64x32xf32, #tpu.memory_space<hbm>>)
      tpu.yield
    }) : () -> ()
    return
  }
}

#map = affine_map<(d0, d1) -> (0)>
#map1 = affine_map<(d0, d1) -> (0, 0)>
module attributes {stable_mosaic.version = 14 : i64} {
  func.func @_sc_agg_body(%arg0: i32, %arg1: i32, %arg2: memref<2048xi32, #tpu.memory_space<hbm>>, %arg3: memref<2048xi32, #tpu.memory_space<hbm>>, %arg4: memref<2048xi32, #tpu.memory_space<hbm>>, %arg5: memref<10016xi32, #tpu.memory_space<hbm>>, %arg6: memref<4096x64xf32, #tpu.memory_space<hbm>>, %arg7: memref<2048x64xf32, #tpu.memory_space<hbm>>, %arg8: memref<2048x64xf32, #tpu.memory_space<hbm>>, %arg9: memref<10016xi32, #tpu.memory_space<vmem_shared>>, %arg10: memref<10016xi32, #tpu.memory_space<vmem_shared>>, %arg11: memref<2048xi32, #tpu.memory_space<vmem>>, %arg12: memref<10016xi32, #tpu.memory_space<vmem>>, %arg13: memref<16xi32, #tpu.memory_space<vmem>>, %arg14: memref<2048xi32, #tpu.memory_space<vmem>>, %arg15: memref<64xi32, #tpu.memory_space<vmem>>, %arg16: memref<64xi32, #tpu.memory_space<vmem>>, %arg17: memref<64xi32, #tpu.memory_space<vmem>>, %arg18: memref<64xi32, #tpu.memory_space<vmem>>, %arg19: memref<64xi32, #tpu.memory_space<vmem>>, %arg20: memref<64xi32, #tpu.memory_space<vmem>>, %arg21: memref<64xi32, #tpu.memory_space<vmem>>, %arg22: memref<64xi32, #tpu.memory_space<vmem>>, %arg23: memref<64x64xf32, #tpu.memory_space<vmem>>, %arg24: memref<64x64xf32, #tpu.memory_space<vmem>>, %arg25: memref<!tpu.dma_semaphore, #tpu.memory_space<semaphore_mem>>) attributes {dimension_semantics = [#tpu.dimension_semantics<core_parallel>, #tpu.dimension_semantics<subcore_parallel>], iteration_bounds = array<i64: 2, 16>, scalar_prefetch = 0 : i64, scratch_operands = 17 : i64, tpu.core_type = #tpu.core_type<sc_vector_subcore>, window_params = [{transform_indices = #map}, {transform_indices = #map}, {transform_indices = #map}, {transform_indices = #map}, {transform_indices = #map1}, {transform_indices = #map1}, {transform_indices = #map1}]} {
    %mul3A = arith.constant 2 : i32
    %mul3A_0 = arith.muli %arg1, %mul3A : i32
    %add3A = arith.addi %mul3A_0, %arg0 : i32
    %mul3A_1 = arith.constant 64 : i32
    %mul3A_2 = arith.muli %add3A, %mul3A_1 : i32
    "tpu.region"() ({
      %run_scoped3A = tpu.sem_alloc : memref<!tpu.dma_semaphore, #tpu.memory_space<semaphore_mem>>
      tpu.enqueue_dma source(%arg4 : memref<2048xi32, #tpu.memory_space<hbm>>) target(%arg14 : memref<2048xi32, #tpu.memory_space<vmem>>) target_semaphore(%run_scoped3A : memref<!tpu.dma_semaphore, #tpu.memory_space<semaphore_mem>>)
      tpu.wait_dma2 semaphore(%run_scoped3A : memref<!tpu.dma_semaphore, #tpu.memory_space<semaphore_mem>>) src(%arg4 : memref<2048xi32, #tpu.memory_space<hbm>>) dst(%arg14 : memref<2048xi32, #tpu.memory_space<vmem>>)
      tpu.yield
    }) : () -> ()
    "tpu.region"() ({
      %run_scoped3A = tpu.sem_alloc : memref<!tpu.dma_semaphore, #tpu.memory_space<semaphore_mem>>
      %dma_start3A_276 = tpu.memref_slice %arg2[%mul3A_2] : memref<2048xi32, #tpu.memory_space<hbm>> -> memref<64xi32, #tpu.memory_space<hbm>>
      %dma_start3A_277 = tpu.memref_slice %arg2[%mul3A_2] : memref<2048xi32, #tpu.memory_space<hbm>> -> memref<64xi32, #tpu.memory_space<hbm>>
      tpu.enqueue_dma source(%dma_start3A_277 : memref<64xi32, #tpu.memory_space<hbm>>) target(%arg15 : memref<64xi32, #tpu.memory_space<vmem>>) target_semaphore(%run_scoped3A : memref<!tpu.dma_semaphore, #tpu.memory_space<semaphore_mem>>)
      %dma_wait3A_278 = tpu.memref_slice %arg2[%mul3A_2] : memref<2048xi32, #tpu.memory_space<hbm>> -> memref<64xi32, #tpu.memory_space<hbm>>
      %dma_wait3A_279 = tpu.memref_slice %arg2[%mul3A_2] : memref<2048xi32, #tpu.memory_space<hbm>> -> memref<64xi32, #tpu.memory_space<hbm>>
      tpu.wait_dma2 semaphore(%run_scoped3A : memref<!tpu.dma_semaphore, #tpu.memory_space<semaphore_mem>>) src(%dma_wait3A_279 : memref<64xi32, #tpu.memory_space<hbm>>) dst(%arg15 : memref<64xi32, #tpu.memory_space<vmem>>)
      tpu.yield
    }) : () -> ()
    "tpu.region"() ({
      %run_scoped3A = tpu.sem_alloc : memref<!tpu.dma_semaphore, #tpu.memory_space<semaphore_mem>>
      %dma_start3A_276 = tpu.memref_slice %arg3[%mul3A_2] : memref<2048xi32, #tpu.memory_space<hbm>> -> memref<64xi32, #tpu.memory_space<hbm>>
      %dma_start3A_277 = tpu.memref_slice %arg3[%mul3A_2] : memref<2048xi32, #tpu.memory_space<hbm>> -> memref<64xi32, #tpu.memory_space<hbm>>
      tpu.enqueue_dma source(%dma_start3A_277 : memref<64xi32, #tpu.memory_space<hbm>>) target(%arg16 : memref<64xi32, #tpu.memory_space<vmem>>) target_semaphore(%run_scoped3A : memref<!tpu.dma_semaphore, #tpu.memory_space<semaphore_mem>>)
      %dma_wait3A_278 = tpu.memref_slice %arg3[%mul3A_2] : memref<2048xi32, #tpu.memory_space<hbm>> -> memref<64xi32, #tpu.memory_space<hbm>>
      %dma_wait3A_279 = tpu.memref_slice %arg3[%mul3A_2] : memref<2048xi32, #tpu.memory_space<hbm>> -> memref<64xi32, #tpu.memory_space<hbm>>
      tpu.wait_dma2 semaphore(%run_scoped3A : memref<!tpu.dma_semaphore, #tpu.memory_space<semaphore_mem>>) src(%dma_wait3A_279 : memref<64xi32, #tpu.memory_space<hbm>>) dst(%arg16 : memref<64xi32, #tpu.memory_space<vmem>>)
      tpu.yield
    }) : () -> ()
    %eq3A = arith.constant 0 : i32
    %eq3A_3 = arith.cmpi eq, %arg1, %eq3A : i32
    %convert_element_type3A = arith.extui %eq3A_3 : i1 to i32
    %cond3A = arith.constant 0 : i32
    %cond3A_4 = arith.cmpi ne, %convert_element_type3A, %cond3A : i32
    scf.if %cond3A_4 {
      "tpu.region"() ({
        %run_scoped3A = tpu.sem_alloc : memref<!tpu.dma_semaphore, #tpu.memory_space<semaphore_mem>>
        tpu.enqueue_dma source(%arg2 : memref<2048xi32, #tpu.memory_space<hbm>>) target(%arg11 : memref<2048xi32, #tpu.memory_space<vmem>>) target_semaphore(%run_scoped3A : memref<!tpu.dma_semaphore, #tpu.memory_space<semaphore_mem>>)
        tpu.wait_dma2 semaphore(%run_scoped3A : memref<!tpu.dma_semaphore, #tpu.memory_space<semaphore_mem>>) src(%arg2 : memref<2048xi32, #tpu.memory_space<hbm>>) dst(%arg11 : memref<2048xi32, #tpu.memory_space<vmem>>)
        tpu.yield
      }) : () -> ()
      "tpu.region"() ({
        %run_scoped3A = tpu.sem_alloc : memref<!tpu.dma_semaphore, #tpu.memory_space<semaphore_mem>>
        tpu.enqueue_dma source(%arg5 : memref<10016xi32, #tpu.memory_space<hbm>>) target(%arg12 : memref<10016xi32, #tpu.memory_space<vmem>>) target_semaphore(%run_scoped3A : memref<!tpu.dma_semaphore, #tpu.memory_space<semaphore_mem>>)
        tpu.wait_dma2 semaphore(%run_scoped3A : memref<!tpu.dma_semaphore, #tpu.memory_space<semaphore_mem>>) src(%arg5 : memref<10016xi32, #tpu.memory_space<hbm>>) dst(%arg12 : memref<10016xi32, #tpu.memory_space<vmem>>)
        tpu.yield
      }) : () -> ()
      %iota3A = tpu.iota {dimensions = array<i32: 0>} : vector<16xi32>
      %scan3A = arith.constant 0 : i32
      %scan3A_276 = arith.constant 0 : i32
      %scan3A_277 = arith.constant 128 : i32
      %scan3A_278 = arith.addi %scan3A_276, %scan3A_277 : i32
      %scan3A_279 = arith.constant 1 : i32
      scf.for %scan3A_281 = %scan3A_276 to %scan3A_278 step %scan3A_279  : i32 {
        %mul3A_282 = arith.constant 16 : i32
        %mul3A_283 = arith.muli %scan3A_281, %mul3A_282 : i32
        %get3A_284 = arith.index_cast %mul3A_283 : i32 to index
        %get3A_285 = tpu.vector_load %arg11[%get3A_284] {strides = array<i32>} : memref<2048xi32, #tpu.memory_space<vmem>>, vector<16xi32>,
        %mul3A_286 = arith.constant 16 : i32
        %mul3A_287 = arith.muli %scan3A_281, %mul3A_286 : i32
        %add3A_288 = vector.broadcast %mul3A_287 : i32 to vector<16xi32>
        %add3A_289 = arith.addi %add3A_288, %iota3A : vector<16xi32>
        %mul3A_290 = arith.constant 2048 : i32
        %mul3A_291 = vector.broadcast %mul3A_290 : i32 to vector<16xi32>
        %mul3A_292 = arith.muli %get3A_285, %mul3A_291 : vector<16xi32>
        %add3A_293 = arith.addi %mul3A_292, %add3A_289 : vector<16xi32>
        %sort3A = arith.constant dense<true> : vector<16xi1>
        %sort3A_294, %sort3A_295, %sort3A_296 = tpu.sort %add3A_293, %add3A_293 masked %sort3A : (vector<16xi32>, vector<16xi32>, vector<16xi1>) -> (vector<16xi1>, vector<16xi32>, vector<16xi32>)
        %shift_right_logical3A = arith.constant 11 : i32
        %shift_right_logical3A_297 = vector.broadcast %shift_right_logical3A : i32 to vector<16xi32>
        %shift_right_logical3A_298 = arith.shrui %sort3A_295, %shift_right_logical3A_297 : vector<16xi32>
        %and3A = arith.constant 2047 : i32
        %and3A_299 = vector.broadcast %and3A : i32 to vector<16xi32>
        %and3A_300 = arith.andi %sort3A_295, %and3A_299 : vector<16xi32>
        %swap3A_301 = arith.constant 0 : index
        %swap3A_302 = tpu.vector_load %arg13[%swap3A_301] {strides = array<i32>} : memref<16xi32, #tpu.memory_space<vmem>>, vector<16xi32>,
        tpu.vector_store %arg13[%swap3A_301], %shift_right_logical3A_298 {strides = array<i32>} : memref<16xi32, #tpu.memory_space<vmem>>, vector<16xi32>,
        %add3A_303 = arith.constant 1 : i32
        %add3A_304 = vector.broadcast %add3A_303 : i32 to vector<16xi32>
        %add3A_305 = arith.addi %iota3A, %add3A_304 : vector<16xi32>
        %min3A = arith.constant 15 : i32
        %min3A_306 = vector.broadcast %min3A : i32 to vector<16xi32>
        %min3A_307 = arith.minsi %add3A_305, %min3A_306 : vector<16xi32>
        %gather3A_308 = tpu.vector_load_idx %arg13[%min3A_307] : memref<16xi32, #tpu.memory_space<vmem>>[vector<16xi32>], vector<16xi32>,
        %ne3A = arith.cmpi ne, %shift_right_logical3A_298, %gather3A_308 : vector<16xi32>
        %eq3A_309 = arith.constant 15 : i32
        %eq3A_310 = vector.broadcast %eq3A_309 : i32 to vector<16xi32>
        %eq3A_311 = arith.cmpi eq, %iota3A, %eq3A_310 : vector<16xi32>
        %or3A = arith.ori %ne3A, %eq3A_311 : vector<16xi1>
        tpu.vector_store_idx %arg12[%shift_right_logical3A_298], %and3A_300 masked %or3A : memref<10016xi32, #tpu.memory_space<vmem>>[vector<16xi32>], vector<16xi32>, vector<16xi1>
      }
      %scan3A_280 = arith.constant 128 : i32
      "tpu.region"() ({
        %run_scoped3A = tpu.sem_alloc : memref<!tpu.dma_semaphore, #tpu.memory_space<semaphore_mem>>
        tpu.enqueue_dma source(%arg12 : memref<10016xi32, #tpu.memory_space<vmem>>) target(%arg9 : memref<10016xi32, #tpu.memory_space<vmem_shared>>) target_semaphore(%run_scoped3A : memref<!tpu.dma_semaphore, #tpu.memory_space<semaphore_mem>>)
        tpu.wait_dma2 semaphore(%run_scoped3A : memref<!tpu.dma_semaphore, #tpu.memory_space<semaphore_mem>>) src(%arg12 : memref<10016xi32, #tpu.memory_space<vmem>>) dst(%arg9 : memref<10016xi32, #tpu.memory_space<vmem_shared>>)
        tpu.yield
      }) : () -> ()
    } else {
    }
    %eq3A_5 = arith.constant 1 : i32
    %eq3A_6 = arith.cmpi eq, %arg1, %eq3A_5 : i32
    %convert_element_type3A_7 = arith.extui %eq3A_6 : i1 to i32
    %cond3A_8 = arith.constant 0 : i32
    %cond3A_9 = arith.cmpi ne, %convert_element_type3A_7, %cond3A_8 : i32
    scf.if %cond3A_9 {
      "tpu.region"() ({
        %run_scoped3A = tpu.sem_alloc : memref<!tpu.dma_semaphore, #tpu.memory_space<semaphore_mem>>
        tpu.enqueue_dma source(%arg3 : memref<2048xi32, #tpu.memory_space<hbm>>) target(%arg11 : memref<2048xi32, #tpu.memory_space<vmem>>) target_semaphore(%run_scoped3A : memref<!tpu.dma_semaphore, #tpu.memory_space<semaphore_mem>>)
        tpu.wait_dma2 semaphore(%run_scoped3A : memref<!tpu.dma_semaphore, #tpu.memory_space<semaphore_mem>>) src(%arg3 : memref<2048xi32, #tpu.memory_space<hbm>>) dst(%arg11 : memref<2048xi32, #tpu.memory_space<vmem>>)
        tpu.yield
      }) : () -> ()
      "tpu.region"() ({
        %run_scoped3A = tpu.sem_alloc : memref<!tpu.dma_semaphore, #tpu.memory_space<semaphore_mem>>
        tpu.enqueue_dma source(%arg5 : memref<10016xi32, #tpu.memory_space<hbm>>) target(%arg12 : memref<10016xi32, #tpu.memory_space<vmem>>) target_semaphore(%run_scoped3A : memref<!tpu.dma_semaphore, #tpu.memory_space<semaphore_mem>>)
        tpu.wait_dma2 semaphore(%run_scoped3A : memref<!tpu.dma_semaphore, #tpu.memory_space<semaphore_mem>>) src(%arg5 : memref<10016xi32, #tpu.memory_space<hbm>>) dst(%arg12 : memref<10016xi32, #tpu.memory_space<vmem>>)
        tpu.yield
      }) : () -> ()
      %iota3A = tpu.iota {dimensions = array<i32: 0>} : vector<16xi32>
      %scan3A = arith.constant 0 : i32
      %scan3A_276 = arith.constant 0 : i32
      %scan3A_277 = arith.constant 128 : i32
      %scan3A_278 = arith.addi %scan3A_276, %scan3A_277 : i32
      %scan3A_279 = arith.constant 1 : i32
      scf.for %scan3A_281 = %scan3A_276 to %scan3A_278 step %scan3A_279  : i32 {
        %mul3A_282 = arith.constant 16 : i32
        %mul3A_283 = arith.muli %scan3A_281, %mul3A_282 : i32
        %get3A_284 = arith.index_cast %mul3A_283 : i32 to index
        %get3A_285 = tpu.vector_load %arg11[%get3A_284] {strides = array<i32>} : memref<2048xi32, #tpu.memory_space<vmem>>, vector<16xi32>,
        %mul3A_286 = arith.constant 16 : i32
        %mul3A_287 = arith.muli %scan3A_281, %mul3A_286 : i32
        %add3A_288 = vector.broadcast %mul3A_287 : i32 to vector<16xi32>
        %add3A_289 = arith.addi %add3A_288, %iota3A : vector<16xi32>
        %mul3A_290 = arith.constant 2048 : i32
        %mul3A_291 = vector.broadcast %mul3A_290 : i32 to vector<16xi32>
        %mul3A_292 = arith.muli %get3A_285, %mul3A_291 : vector<16xi32>
        %add3A_293 = arith.addi %mul3A_292, %add3A_289 : vector<16xi32>
        %sort3A = arith.constant dense<true> : vector<16xi1>
        %sort3A_294, %sort3A_295, %sort3A_296 = tpu.sort %add3A_293, %add3A_293 masked %sort3A : (vector<16xi32>, vector<16xi32>, vector<16xi1>) -> (vector<16xi1>, vector<16xi32>, vector<16xi32>)
        %shift_right_logical3A = arith.constant 11 : i32
        %shift_right_logical3A_297 = vector.broadcast %shift_right_logical3A : i32 to vector<16xi32>
        %shift_right_logical3A_298 = arith.shrui %sort3A_295, %shift_right_logical3A_297 : vector<16xi32>
        %and3A = arith.constant 2047 : i32
        %and3A_299 = vector.broadcast %and3A : i32 to vector<16xi32>
        %and3A_300 = arith.andi %sort3A_295, %and3A_299 : vector<16xi32>
        %swap3A_301 = arith.constant 0 : index
        %swap3A_302 = tpu.vector_load %arg13[%swap3A_301] {strides = array<i32>} : memref<16xi32, #tpu.memory_space<vmem>>, vector<16xi32>,
        tpu.vector_store %arg13[%swap3A_301], %shift_right_logical3A_298 {strides = array<i32>} : memref<16xi32, #tpu.memory_space<vmem>>, vector<16xi32>,
        %add3A_303 = arith.constant 1 : i32
        %add3A_304 = vector.broadcast %add3A_303 : i32 to vector<16xi32>
        %add3A_305 = arith.addi %iota3A, %add3A_304 : vector<16xi32>
        %min3A = arith.constant 15 : i32
        %min3A_306 = vector.broadcast %min3A : i32 to vector<16xi32>
        %min3A_307 = arith.minsi %add3A_305, %min3A_306 : vector<16xi32>
        %gather3A_308 = tpu.vector_load_idx %arg13[%min3A_307] : memref<16xi32, #tpu.memory_space<vmem>>[vector<16xi32>], vector<16xi32>,
        %ne3A = arith.cmpi ne, %shift_right_logical3A_298, %gather3A_308 : vector<16xi32>
        %eq3A_309 = arith.constant 15 : i32
        %eq3A_310 = vector.broadcast %eq3A_309 : i32 to vector<16xi32>
        %eq3A_311 = arith.cmpi eq, %iota3A, %eq3A_310 : vector<16xi32>
        %or3A = arith.ori %ne3A, %eq3A_311 : vector<16xi1>
        tpu.vector_store_idx %arg12[%shift_right_logical3A_298], %and3A_300 masked %or3A : memref<10016xi32, #tpu.memory_space<vmem>>[vector<16xi32>], vector<16xi32>, vector<16xi1>
      }
      %scan3A_280 = arith.constant 128 : i32
      "tpu.region"() ({
        %run_scoped3A = tpu.sem_alloc : memref<!tpu.dma_semaphore, #tpu.memory_space<semaphore_mem>>
        tpu.enqueue_dma source(%arg12 : memref<10016xi32, #tpu.memory_space<vmem>>) target(%arg10 : memref<10016xi32, #tpu.memory_space<vmem_shared>>) target_semaphore(%run_scoped3A : memref<!tpu.dma_semaphore, #tpu.memory_space<semaphore_mem>>)
        tpu.wait_dma2 semaphore(%run_scoped3A : memref<!tpu.dma_semaphore, #tpu.memory_space<semaphore_mem>>) src(%arg12 : memref<10016xi32, #tpu.memory_space<vmem>>) dst(%arg10 : memref<10016xi32, #tpu.memory_space<vmem_shared>>)
        tpu.yield
      }) : () -> ()
    } else {
    }
    %barrier3A = arith.constant 0 : index
    tpu.barrier barrier_id(%barrier3A)
    %dma_start3A = arith.constant 0 : i32
    %dma_start3A_10 = tpu.memref_slice %arg9[%dma_start3A] : memref<10016xi32, #tpu.memory_space<vmem_shared>> -> memref<10016xi32, #tpu.memory_space<vmem_shared>>
    tpu.enqueue_indirect_dma source(%dma_start3A_10 : memref<10016xi32, #tpu.memory_space<vmem_shared>>) target(%arg17 : memref<64xi32, #tpu.memory_space<vmem>>) offsets(%arg15 : memref<64xi32, #tpu.memory_space<vmem>>) semaphore(%arg25 : memref<!tpu.dma_semaphore, #tpu.memory_space<semaphore_mem>>)
    %dma_start3A_11 = arith.constant 0 : i32
    %dma_start3A_12 = tpu.memref_slice %arg10[%dma_start3A_11] : memref<10016xi32, #tpu.memory_space<vmem_shared>> -> memref<10016xi32, #tpu.memory_space<vmem_shared>>
    tpu.enqueue_indirect_dma source(%dma_start3A_12 : memref<10016xi32, #tpu.memory_space<vmem_shared>>) target(%arg18 : memref<64xi32, #tpu.memory_space<vmem>>) offsets(%arg15 : memref<64xi32, #tpu.memory_space<vmem>>) semaphore(%arg25 : memref<!tpu.dma_semaphore, #tpu.memory_space<semaphore_mem>>)
    %dma_start3A_13 = arith.constant 0 : i32
    %dma_start3A_14 = tpu.memref_slice %arg9[%dma_start3A_13] : memref<10016xi32, #tpu.memory_space<vmem_shared>> -> memref<10016xi32, #tpu.memory_space<vmem_shared>>
    tpu.enqueue_indirect_dma source(%dma_start3A_14 : memref<10016xi32, #tpu.memory_space<vmem_shared>>) target(%arg19 : memref<64xi32, #tpu.memory_space<vmem>>) offsets(%arg16 : memref<64xi32, #tpu.memory_space<vmem>>) semaphore(%arg25 : memref<!tpu.dma_semaphore, #tpu.memory_space<semaphore_mem>>)
    %dma_start3A_15 = arith.constant 0 : i32
    %dma_start3A_16 = tpu.memref_slice %arg10[%dma_start3A_15] : memref<10016xi32, #tpu.memory_space<vmem_shared>> -> memref<10016xi32, #tpu.memory_space<vmem_shared>>
    tpu.enqueue_indirect_dma source(%dma_start3A_16 : memref<10016xi32, #tpu.memory_space<vmem_shared>>) target(%arg20 : memref<64xi32, #tpu.memory_space<vmem>>) offsets(%arg16 : memref<64xi32, #tpu.memory_space<vmem>>) semaphore(%arg25 : memref<!tpu.dma_semaphore, #tpu.memory_space<semaphore_mem>>)
    %dma_wait3A = arith.constant 0 : i32
    %dma_wait3A_17 = tpu.memref_slice %arg9[%dma_wait3A] : memref<10016xi32, #tpu.memory_space<vmem_shared>> -> memref<10016xi32, #tpu.memory_space<vmem_shared>>
    tpu.wait_indirect_dma semaphore(%arg25 : memref<!tpu.dma_semaphore, #tpu.memory_space<semaphore_mem>>) src(%dma_wait3A_17 : memref<10016xi32, #tpu.memory_space<vmem_shared>>) dst(%arg17 : memref<64xi32, #tpu.memory_space<vmem>>)
    %dma_wait3A_18 = arith.constant 0 : i32
    %dma_wait3A_19 = tpu.memref_slice %arg10[%dma_wait3A_18] : memref<10016xi32, #tpu.memory_space<vmem_shared>> -> memref<10016xi32, #tpu.memory_space<vmem_shared>>
    tpu.wait_indirect_dma semaphore(%arg25 : memref<!tpu.dma_semaphore, #tpu.memory_space<semaphore_mem>>) src(%dma_wait3A_19 : memref<10016xi32, #tpu.memory_space<vmem_shared>>) dst(%arg18 : memref<64xi32, #tpu.memory_space<vmem>>)
    %dma_wait3A_20 = arith.constant 0 : i32
    %dma_wait3A_21 = tpu.memref_slice %arg9[%dma_wait3A_20] : memref<10016xi32, #tpu.memory_space<vmem_shared>> -> memref<10016xi32, #tpu.memory_space<vmem_shared>>
    tpu.wait_indirect_dma semaphore(%arg25 : memref<!tpu.dma_semaphore, #tpu.memory_space<semaphore_mem>>) src(%dma_wait3A_21 : memref<10016xi32, #tpu.memory_space<vmem_shared>>) dst(%arg19 : memref<64xi32, #tpu.memory_space<vmem>>)
    %dma_wait3A_22 = arith.constant 0 : i32
    %dma_wait3A_23 = tpu.memref_slice %arg10[%dma_wait3A_22] : memref<10016xi32, #tpu.memory_space<vmem_shared>> -> memref<10016xi32, #tpu.memory_space<vmem_shared>>
    tpu.wait_indirect_dma semaphore(%arg25 : memref<!tpu.dma_semaphore, #tpu.memory_space<semaphore_mem>>) src(%dma_wait3A_23 : memref<10016xi32, #tpu.memory_space<vmem_shared>>) dst(%arg20 : memref<64xi32, #tpu.memory_space<vmem>>)
    %get3A = arith.constant 0 : index
    %get3A_24 = tpu.vector_load %arg17[%get3A] {strides = array<i32>} : memref<64xi32, #tpu.memory_space<vmem>>, vector<16xi32>,
    %get3A_25 = arith.constant 0 : index
    %get3A_26 = tpu.vector_load %arg18[%get3A_25] {strides = array<i32>} : memref<64xi32, #tpu.memory_space<vmem>>, vector<16xi32>,
    %max3A = arith.constant 0 : i32
    %max3A_27 = vector.broadcast %max3A : i32 to vector<16xi32>
    %max3A_28 = arith.maxsi %get3A_24, %max3A_27 : vector<16xi32>
    %gather3A = tpu.vector_load_idx %arg14[%max3A_28] : memref<2048xi32, #tpu.memory_space<vmem>>[vector<16xi32>], vector<16xi32>,
    %max3A_29 = arith.constant 0 : i32
    %max3A_30 = vector.broadcast %max3A_29 : i32 to vector<16xi32>
    %max3A_31 = arith.maxsi %get3A_26, %max3A_30 : vector<16xi32>
    %gather3A_32 = tpu.vector_load_idx %arg14[%max3A_31] : memref<2048xi32, #tpu.memory_space<vmem>>[vector<16xi32>], vector<16xi32>,
    %ge3A = arith.constant 0 : i32
    %ge3A_33 = vector.broadcast %ge3A : i32 to vector<16xi32>
    %ge3A_34 = arith.cmpi sge, %get3A_24, %ge3A_33 : vector<16xi32>
    %jit3A = arith.constant -1 : i32
    %broadcast_in_dim3A = vector.broadcast %jit3A : i32 to vector<16xi32>
    %select_n3A = arith.select %ge3A_34, %gather3A, %broadcast_in_dim3A : vector<16xi1>, vector<16xi32>
    %ge3A_35 = arith.constant 0 : i32
    %ge3A_36 = vector.broadcast %ge3A_35 : i32 to vector<16xi32>
    %ge3A_37 = arith.cmpi sge, %get3A_26, %ge3A_36 : vector<16xi32>
    %jit3A_38 = arith.constant -1 : i32
    %broadcast_in_dim3A_39 = vector.broadcast %jit3A_38 : i32 to vector<16xi32>
    %select_n3A_40 = arith.select %ge3A_37, %gather3A_32, %broadcast_in_dim3A_39 : vector<16xi1>, vector<16xi32>
    %ge3A_41 = arith.cmpi sge, %select_n3A_40, %select_n3A : vector<16xi32>
    %add3A_42 = arith.constant 2048 : i32
    %add3A_43 = vector.broadcast %add3A_42 : i32 to vector<16xi32>
    %add3A_44 = arith.addi %get3A_26, %add3A_43 : vector<16xi32>
    %select_n3A_45 = arith.select %ge3A_41, %add3A_44, %get3A_24 : vector<16xi1>, vector<16xi32>
    %swap3A = arith.constant 0 : index
    %swap3A_46 = tpu.vector_load %arg21[%swap3A] {strides = array<i32>} : memref<64xi32, #tpu.memory_space<vmem>>, vector<16xi32>,
    tpu.vector_store %arg21[%swap3A], %select_n3A_45 {strides = array<i32>} : memref<64xi32, #tpu.memory_space<vmem>>, vector<16xi32>,
    %get3A_47 = arith.constant 0 : index
    %get3A_48 = tpu.vector_load %arg19[%get3A_47] {strides = array<i32>} : memref<64xi32, #tpu.memory_space<vmem>>, vector<16xi32>,
    %get3A_49 = arith.constant 0 : index
    %get3A_50 = tpu.vector_load %arg20[%get3A_49] {strides = array<i32>} : memref<64xi32, #tpu.memory_space<vmem>>, vector<16xi32>,
    %max3A_51 = arith.constant 0 : i32
    %max3A_52 = vector.broadcast %max3A_51 : i32 to vector<16xi32>
    %max3A_53 = arith.maxsi %get3A_48, %max3A_52 : vector<16xi32>
    %gather3A_54 = tpu.vector_load_idx %arg14[%max3A_53] : memref<2048xi32, #tpu.memory_space<vmem>>[vector<16xi32>], vector<16xi32>,
    %max3A_55 = arith.constant 0 : i32
    %max3A_56 = vector.broadcast %max3A_55 : i32 to vector<16xi32>
    %max3A_57 = arith.maxsi %get3A_50, %max3A_56 : vector<16xi32>
    %gather3A_58 = tpu.vector_load_idx %arg14[%max3A_57] : memref<2048xi32, #tpu.memory_space<vmem>>[vector<16xi32>], vector<16xi32>,
    %ge3A_59 = arith.constant 0 : i32
    %ge3A_60 = vector.broadcast %ge3A_59 : i32 to vector<16xi32>
    %ge3A_61 = arith.cmpi sge, %get3A_48, %ge3A_60 : vector<16xi32>
    %jit3A_62 = arith.constant -1 : i32
    %broadcast_in_dim3A_63 = vector.broadcast %jit3A_62 : i32 to vector<16xi32>
    %select_n3A_64 = arith.select %ge3A_61, %gather3A_54, %broadcast_in_dim3A_63 : vector<16xi1>, vector<16xi32>
    %ge3A_65 = arith.constant 0 : i32
    %ge3A_66 = vector.broadcast %ge3A_65 : i32 to vector<16xi32>
    %ge3A_67 = arith.cmpi sge, %get3A_50, %ge3A_66 : vector<16xi32>
    %jit3A_68 = arith.constant -1 : i32
    %broadcast_in_dim3A_69 = vector.broadcast %jit3A_68 : i32 to vector<16xi32>
    %select_n3A_70 = arith.select %ge3A_67, %gather3A_58, %broadcast_in_dim3A_69 : vector<16xi1>, vector<16xi32>
    %ge3A_71 = arith.cmpi sge, %select_n3A_70, %select_n3A_64 : vector<16xi32>
    %add3A_72 = arith.constant 2048 : i32
    %add3A_73 = vector.broadcast %add3A_72 : i32 to vector<16xi32>
    %add3A_74 = arith.addi %get3A_50, %add3A_73 : vector<16xi32>
    %select_n3A_75 = arith.select %ge3A_71, %add3A_74, %get3A_48 : vector<16xi1>, vector<16xi32>
    %swap3A_76 = arith.constant 0 : index
    %swap3A_77 = tpu.vector_load %arg22[%swap3A_76] {strides = array<i32>} : memref<64xi32, #tpu.memory_space<vmem>>, vector<16xi32>,
    tpu.vector_store %arg22[%swap3A_76], %select_n3A_75 {strides = array<i32>} : memref<64xi32, #tpu.memory_space<vmem>>, vector<16xi32>,
    %get3A_78 = arith.constant 16 : index
    %get3A_79 = tpu.vector_load %arg17[%get3A_78] {strides = array<i32>} : memref<64xi32, #tpu.memory_space<vmem>>, vector<16xi32>,
    %get3A_80 = arith.constant 16 : index
    %get3A_81 = tpu.vector_load %arg18[%get3A_80] {strides = array<i32>} : memref<64xi32, #tpu.memory_space<vmem>>, vector<16xi32>,
    %max3A_82 = arith.constant 0 : i32
    %max3A_83 = vector.broadcast %max3A_82 : i32 to vector<16xi32>
    %max3A_84 = arith.maxsi %get3A_79, %max3A_83 : vector<16xi32>
    %gather3A_85 = tpu.vector_load_idx %arg14[%max3A_84] : memref<2048xi32, #tpu.memory_space<vmem>>[vector<16xi32>], vector<16xi32>,
    %max3A_86 = arith.constant 0 : i32
    %max3A_87 = vector.broadcast %max3A_86 : i32 to vector<16xi32>
    %max3A_88 = arith.maxsi %get3A_81, %max3A_87 : vector<16xi32>
    %gather3A_89 = tpu.vector_load_idx %arg14[%max3A_88] : memref<2048xi32, #tpu.memory_space<vmem>>[vector<16xi32>], vector<16xi32>,
    %ge3A_90 = arith.constant 0 : i32
    %ge3A_91 = vector.broadcast %ge3A_90 : i32 to vector<16xi32>
    %ge3A_92 = arith.cmpi sge, %get3A_79, %ge3A_91 : vector<16xi32>
    %jit3A_93 = arith.constant -1 : i32
    %broadcast_in_dim3A_94 = vector.broadcast %jit3A_93 : i32 to vector<16xi32>
    %select_n3A_95 = arith.select %ge3A_92, %gather3A_85, %broadcast_in_dim3A_94 : vector<16xi1>, vector<16xi32>
    %ge3A_96 = arith.constant 0 : i32
    %ge3A_97 = vector.broadcast %ge3A_96 : i32 to vector<16xi32>
    %ge3A_98 = arith.cmpi sge, %get3A_81, %ge3A_97 : vector<16xi32>
    %jit3A_99 = arith.constant -1 : i32
    %broadcast_in_dim3A_100 = vector.broadcast %jit3A_99 : i32 to vector<16xi32>
    %select_n3A_101 = arith.select %ge3A_98, %gather3A_89, %broadcast_in_dim3A_100 : vector<16xi1>, vector<16xi32>
    %ge3A_102 = arith.cmpi sge, %select_n3A_101, %select_n3A_95 : vector<16xi32>
    %add3A_103 = arith.constant 2048 : i32
    %add3A_104 = vector.broadcast %add3A_103 : i32 to vector<16xi32>
    %add3A_105 = arith.addi %get3A_81, %add3A_104 : vector<16xi32>
    %select_n3A_106 = arith.select %ge3A_102, %add3A_105, %get3A_79 : vector<16xi1>, vector<16xi32>
    %swap3A_107 = arith.constant 16 : index
    %swap3A_108 = tpu.vector_load %arg21[%swap3A_107] {strides = array<i32>} : memref<64xi32, #tpu.memory_space<vmem>>, vector<16xi32>,
    tpu.vector_store %arg21[%swap3A_107], %select_n3A_106 {strides = array<i32>} : memref<64xi32, #tpu.memory_space<vmem>>, vector<16xi32>,
    %get3A_109 = arith.constant 16 : index
    %get3A_110 = tpu.vector_load %arg19[%get3A_109] {strides = array<i32>} : memref<64xi32, #tpu.memory_space<vmem>>, vector<16xi32>,
    %get3A_111 = arith.constant 16 : index
    %get3A_112 = tpu.vector_load %arg20[%get3A_111] {strides = array<i32>} : memref<64xi32, #tpu.memory_space<vmem>>, vector<16xi32>,
    %max3A_113 = arith.constant 0 : i32
    %max3A_114 = vector.broadcast %max3A_113 : i32 to vector<16xi32>
    %max3A_115 = arith.maxsi %get3A_110, %max3A_114 : vector<16xi32>
    %gather3A_116 = tpu.vector_load_idx %arg14[%max3A_115] : memref<2048xi32, #tpu.memory_space<vmem>>[vector<16xi32>], vector<16xi32>,
    %max3A_117 = arith.constant 0 : i32
    %max3A_118 = vector.broadcast %max3A_117 : i32 to vector<16xi32>
    %max3A_119 = arith.maxsi %get3A_112, %max3A_118 : vector<16xi32>
    %gather3A_120 = tpu.vector_load_idx %arg14[%max3A_119] : memref<2048xi32, #tpu.memory_space<vmem>>[vector<16xi32>], vector<16xi32>,
    %ge3A_121 = arith.constant 0 : i32
    %ge3A_122 = vector.broadcast %ge3A_121 : i32 to vector<16xi32>
    %ge3A_123 = arith.cmpi sge, %get3A_110, %ge3A_122 : vector<16xi32>
    %jit3A_124 = arith.constant -1 : i32
    %broadcast_in_dim3A_125 = vector.broadcast %jit3A_124 : i32 to vector<16xi32>
    %select_n3A_126 = arith.select %ge3A_123, %gather3A_116, %broadcast_in_dim3A_125 : vector<16xi1>, vector<16xi32>
    %ge3A_127 = arith.constant 0 : i32
    %ge3A_128 = vector.broadcast %ge3A_127 : i32 to vector<16xi32>
    %ge3A_129 = arith.cmpi sge, %get3A_112, %ge3A_128 : vector<16xi32>
    %jit3A_130 = arith.constant -1 : i32
    %broadcast_in_dim3A_131 = vector.broadcast %jit3A_130 : i32 to vector<16xi32>
    %select_n3A_132 = arith.select %ge3A_129, %gather3A_120, %broadcast_in_dim3A_131 : vector<16xi1>, vector<16xi32>
    %ge3A_133 = arith.cmpi sge, %select_n3A_132, %select_n3A_126 : vector<16xi32>
    %add3A_134 = arith.constant 2048 : i32
    %add3A_135 = vector.broadcast %add3A_134 : i32 to vector<16xi32>
    %add3A_136 = arith.addi %get3A_112, %add3A_135 : vector<16xi32>
    %select_n3A_137 = arith.select %ge3A_133, %add3A_136, %get3A_110 : vector<16xi1>, vector<16xi32>
    %swap3A_138 = arith.constant 16 : index
    %swap3A_139 = tpu.vector_load %arg22[%swap3A_138] {strides = array<i32>} : memref<64xi32, #tpu.memory_space<vmem>>, vector<16xi32>,
    tpu.vector_store %arg22[%swap3A_138], %select_n3A_137 {strides = array<i32>} : memref<64xi32, #tpu.memory_space<vmem>>, vector<16xi32>,
    %get3A_140 = arith.constant 32 : index
    %get3A_141 = tpu.vector_load %arg17[%get3A_140] {strides = array<i32>} : memref<64xi32, #tpu.memory_space<vmem>>, vector<16xi32>,
    %get3A_142 = arith.constant 32 : index
    %get3A_143 = tpu.vector_load %arg18[%get3A_142] {strides = array<i32>} : memref<64xi32, #tpu.memory_space<vmem>>, vector<16xi32>,
    %max3A_144 = arith.constant 0 : i32
    %max3A_145 = vector.broadcast %max3A_144 : i32 to vector<16xi32>
    %max3A_146 = arith.maxsi %get3A_141, %max3A_145 : vector<16xi32>
    %gather3A_147 = tpu.vector_load_idx %arg14[%max3A_146] : memref<2048xi32, #tpu.memory_space<vmem>>[vector<16xi32>], vector<16xi32>,
    %max3A_148 = arith.constant 0 : i32
    %max3A_149 = vector.broadcast %max3A_148 : i32 to vector<16xi32>
    %max3A_150 = arith.maxsi %get3A_143, %max3A_149 : vector<16xi32>
    %gather3A_151 = tpu.vector_load_idx %arg14[%max3A_150] : memref<2048xi32, #tpu.memory_space<vmem>>[vector<16xi32>], vector<16xi32>,
    %ge3A_152 = arith.constant 0 : i32
    %ge3A_153 = vector.broadcast %ge3A_152 : i32 to vector<16xi32>
    %ge3A_154 = arith.cmpi sge, %get3A_141, %ge3A_153 : vector<16xi32>
    %jit3A_155 = arith.constant -1 : i32
    %broadcast_in_dim3A_156 = vector.broadcast %jit3A_155 : i32 to vector<16xi32>
    %select_n3A_157 = arith.select %ge3A_154, %gather3A_147, %broadcast_in_dim3A_156 : vector<16xi1>, vector<16xi32>
    %ge3A_158 = arith.constant 0 : i32
    %ge3A_159 = vector.broadcast %ge3A_158 : i32 to vector<16xi32>
    %ge3A_160 = arith.cmpi sge, %get3A_143, %ge3A_159 : vector<16xi32>
    %jit3A_161 = arith.constant -1 : i32
    %broadcast_in_dim3A_162 = vector.broadcast %jit3A_161 : i32 to vector<16xi32>
    %select_n3A_163 = arith.select %ge3A_160, %gather3A_151, %broadcast_in_dim3A_162 : vector<16xi1>, vector<16xi32>
    %ge3A_164 = arith.cmpi sge, %select_n3A_163, %select_n3A_157 : vector<16xi32>
    %add3A_165 = arith.constant 2048 : i32
    %add3A_166 = vector.broadcast %add3A_165 : i32 to vector<16xi32>
    %add3A_167 = arith.addi %get3A_143, %add3A_166 : vector<16xi32>
    %select_n3A_168 = arith.select %ge3A_164, %add3A_167, %get3A_141 : vector<16xi1>, vector<16xi32>
    %swap3A_169 = arith.constant 32 : index
    %swap3A_170 = tpu.vector_load %arg21[%swap3A_169] {strides = array<i32>} : memref<64xi32, #tpu.memory_space<vmem>>, vector<16xi32>,
    tpu.vector_store %arg21[%swap3A_169], %select_n3A_168 {strides = array<i32>} : memref<64xi32, #tpu.memory_space<vmem>>, vector<16xi32>,
    %get3A_171 = arith.constant 32 : index
    %get3A_172 = tpu.vector_load %arg19[%get3A_171] {strides = array<i32>} : memref<64xi32, #tpu.memory_space<vmem>>, vector<16xi32>,
    %get3A_173 = arith.constant 32 : index
    %get3A_174 = tpu.vector_load %arg20[%get3A_173] {strides = array<i32>} : memref<64xi32, #tpu.memory_space<vmem>>, vector<16xi32>,
    %max3A_175 = arith.constant 0 : i32
    %max3A_176 = vector.broadcast %max3A_175 : i32 to vector<16xi32>
    %max3A_177 = arith.maxsi %get3A_172, %max3A_176 : vector<16xi32>
    %gather3A_178 = tpu.vector_load_idx %arg14[%max3A_177] : memref<2048xi32, #tpu.memory_space<vmem>>[vector<16xi32>], vector<16xi32>,
    %max3A_179 = arith.constant 0 : i32
    %max3A_180 = vector.broadcast %max3A_179 : i32 to vector<16xi32>
    %max3A_181 = arith.maxsi %get3A_174, %max3A_180 : vector<16xi32>
    %gather3A_182 = tpu.vector_load_idx %arg14[%max3A_181] : memref<2048xi32, #tpu.memory_space<vmem>>[vector<16xi32>], vector<16xi32>,
    %ge3A_183 = arith.constant 0 : i32
    %ge3A_184 = vector.broadcast %ge3A_183 : i32 to vector<16xi32>
    %ge3A_185 = arith.cmpi sge, %get3A_172, %ge3A_184 : vector<16xi32>
    %jit3A_186 = arith.constant -1 : i32
    %broadcast_in_dim3A_187 = vector.broadcast %jit3A_186 : i32 to vector<16xi32>
    %select_n3A_188 = arith.select %ge3A_185, %gather3A_178, %broadcast_in_dim3A_187 : vector<16xi1>, vector<16xi32>
    %ge3A_189 = arith.constant 0 : i32
    %ge3A_190 = vector.broadcast %ge3A_189 : i32 to vector<16xi32>
    %ge3A_191 = arith.cmpi sge, %get3A_174, %ge3A_190 : vector<16xi32>
    %jit3A_192 = arith.constant -1 : i32
    %broadcast_in_dim3A_193 = vector.broadcast %jit3A_192 : i32 to vector<16xi32>
    %select_n3A_194 = arith.select %ge3A_191, %gather3A_182, %broadcast_in_dim3A_193 : vector<16xi1>, vector<16xi32>
    %ge3A_195 = arith.cmpi sge, %select_n3A_194, %select_n3A_188 : vector<16xi32>
    %add3A_196 = arith.constant 2048 : i32
    %add3A_197 = vector.broadcast %add3A_196 : i32 to vector<16xi32>
    %add3A_198 = arith.addi %get3A_174, %add3A_197 : vector<16xi32>
    %select_n3A_199 = arith.select %ge3A_195, %add3A_198, %get3A_172 : vector<16xi1>, vector<16xi32>
    %swap3A_200 = arith.constant 32 : index
    %swap3A_201 = tpu.vector_load %arg22[%swap3A_200] {strides = array<i32>} : memref<64xi32, #tpu.memory_space<vmem>>, vector<16xi32>,
    tpu.vector_store %arg22[%swap3A_200], %select_n3A_199 {strides = array<i32>} : memref<64xi32, #tpu.memory_space<vmem>>, vector<16xi32>,
    %get3A_202 = arith.constant 48 : index
    %get3A_203 = tpu.vector_load %arg17[%get3A_202] {strides = array<i32>} : memref<64xi32, #tpu.memory_space<vmem>>, vector<16xi32>,
    %get3A_204 = arith.constant 48 : index
    %get3A_205 = tpu.vector_load %arg18[%get3A_204] {strides = array<i32>} : memref<64xi32, #tpu.memory_space<vmem>>, vector<16xi32>,
    %max3A_206 = arith.constant 0 : i32
    %max3A_207 = vector.broadcast %max3A_206 : i32 to vector<16xi32>
    %max3A_208 = arith.maxsi %get3A_203, %max3A_207 : vector<16xi32>
    %gather3A_209 = tpu.vector_load_idx %arg14[%max3A_208] : memref<2048xi32, #tpu.memory_space<vmem>>[vector<16xi32>], vector<16xi32>,
    %max3A_210 = arith.constant 0 : i32
    %max3A_211 = vector.broadcast %max3A_210 : i32 to vector<16xi32>
    %max3A_212 = arith.maxsi %get3A_205, %max3A_211 : vector<16xi32>
    %gather3A_213 = tpu.vector_load_idx %arg14[%max3A_212] : memref<2048xi32, #tpu.memory_space<vmem>>[vector<16xi32>], vector<16xi32>,
    %ge3A_214 = arith.constant 0 : i32
    %ge3A_215 = vector.broadcast %ge3A_214 : i32 to vector<16xi32>
    %ge3A_216 = arith.cmpi sge, %get3A_203, %ge3A_215 : vector<16xi32>
    %jit3A_217 = arith.constant -1 : i32
    %broadcast_in_dim3A_218 = vector.broadcast %jit3A_217 : i32 to vector<16xi32>
    %select_n3A_219 = arith.select %ge3A_216, %gather3A_209, %broadcast_in_dim3A_218 : vector<16xi1>, vector<16xi32>
    %ge3A_220 = arith.constant 0 : i32
    %ge3A_221 = vector.broadcast %ge3A_220 : i32 to vector<16xi32>
    %ge3A_222 = arith.cmpi sge, %get3A_205, %ge3A_221 : vector<16xi32>
    %jit3A_223 = arith.constant -1 : i32
    %broadcast_in_dim3A_224 = vector.broadcast %jit3A_223 : i32 to vector<16xi32>
    %select_n3A_225 = arith.select %ge3A_222, %gather3A_213, %broadcast_in_dim3A_224 : vector<16xi1>, vector<16xi32>
    %ge3A_226 = arith.cmpi sge, %select_n3A_225, %select_n3A_219 : vector<16xi32>
    %add3A_227 = arith.constant 2048 : i32
    %add3A_228 = vector.broadcast %add3A_227 : i32 to vector<16xi32>
    %add3A_229 = arith.addi %get3A_205, %add3A_228 : vector<16xi32>
    %select_n3A_230 = arith.select %ge3A_226, %add3A_229, %get3A_203 : vector<16xi1>, vector<16xi32>
    %swap3A_231 = arith.constant 48 : index
    %swap3A_232 = tpu.vector_load %arg21[%swap3A_231] {strides = array<i32>} : memref<64xi32, #tpu.memory_space<vmem>>, vector<16xi32>,
    tpu.vector_store %arg21[%swap3A_231], %select_n3A_230 {strides = array<i32>} : memref<64xi32, #tpu.memory_space<vmem>>, vector<16xi32>,
    %get3A_233 = arith.constant 48 : index
    %get3A_234 = tpu.vector_load %arg19[%get3A_233] {strides = array<i32>} : memref<64xi32, #tpu.memory_space<vmem>>, vector<16xi32>,
    %get3A_235 = arith.constant 48 : index
    %get3A_236 = tpu.vector_load %arg20[%get3A_235] {strides = array<i32>} : memref<64xi32, #tpu.memory_space<vmem>>, vector<16xi32>,
    %max3A_237 = arith.constant 0 : i32
    %max3A_238 = vector.broadcast %max3A_237 : i32 to vector<16xi32>
    %max3A_239 = arith.maxsi %get3A_234, %max3A_238 : vector<16xi32>
    %gather3A_240 = tpu.vector_load_idx %arg14[%max3A_239] : memref<2048xi32, #tpu.memory_space<vmem>>[vector<16xi32>], vector<16xi32>,
    %max3A_241 = arith.constant 0 : i32
    %max3A_242 = vector.broadcast %max3A_241 : i32 to vector<16xi32>
    %max3A_243 = arith.maxsi %get3A_236, %max3A_242 : vector<16xi32>
    %gather3A_244 = tpu.vector_load_idx %arg14[%max3A_243] : memref<2048xi32, #tpu.memory_space<vmem>>[vector<16xi32>], vector<16xi32>,
    %ge3A_245 = arith.constant 0 : i32
    %ge3A_246 = vector.broadcast %ge3A_245 : i32 to vector<16xi32>
    %ge3A_247 = arith.cmpi sge, %get3A_234, %ge3A_246 : vector<16xi32>
    %jit3A_248 = arith.constant -1 : i32
    %broadcast_in_dim3A_249 = vector.broadcast %jit3A_248 : i32 to vector<16xi32>
    %select_n3A_250 = arith.select %ge3A_247, %gather3A_240, %broadcast_in_dim3A_249 : vector<16xi1>, vector<16xi32>
    %ge3A_251 = arith.constant 0 : i32
    %ge3A_252 = vector.broadcast %ge3A_251 : i32 to vector<16xi32>
    %ge3A_253 = arith.cmpi sge, %get3A_236, %ge3A_252 : vector<16xi32>
    %jit3A_254 = arith.constant -1 : i32
    %broadcast_in_dim3A_255 = vector.broadcast %jit3A_254 : i32 to vector<16xi32>
    %select_n3A_256 = arith.select %ge3A_253, %gather3A_244, %broadcast_in_dim3A_255 : vector<16xi1>, vector<16xi32>
    %ge3A_257 = arith.cmpi sge, %select_n3A_256, %select_n3A_250 : vector<16xi32>
    %add3A_258 = arith.constant 2048 : i32
    %add3A_259 = vector.broadcast %add3A_258 : i32 to vector<16xi32>
    %add3A_260 = arith.addi %get3A_236, %add3A_259 : vector<16xi32>
    %select_n3A_261 = arith.select %ge3A_257, %add3A_260, %get3A_234 : vector<16xi1>, vector<16xi32>
    %swap3A_262 = arith.constant 48 : index
    %swap3A_263 = tpu.vector_load %arg22[%swap3A_262] {strides = array<i32>} : memref<64xi32, #tpu.memory_space<vmem>>, vector<16xi32>,
    tpu.vector_store %arg22[%swap3A_262], %select_n3A_261 {strides = array<i32>} : memref<64xi32, #tpu.memory_space<vmem>>, vector<16xi32>,
    %dma_start3A_264 = arith.constant 0 : i32
    %dma_start3A_265 = arith.constant 0 : i32
    %dma_start3A_266 = tpu.memref_slice %arg6[%dma_start3A_264, %dma_start3A_265] : memref<4096x64xf32, #tpu.memory_space<hbm>> -> memref<4096x64xf32, #tpu.memory_space<hbm>>
    tpu.enqueue_indirect_dma source(%dma_start3A_266 : memref<4096x64xf32, #tpu.memory_space<hbm>>) target(%arg23 : memref<64x64xf32, #tpu.memory_space<vmem>>) offsets(%arg21 : memref<64xi32, #tpu.memory_space<vmem>>) semaphore(%arg25 : memref<!tpu.dma_semaphore, #tpu.memory_space<semaphore_mem>>)
    %dma_start3A_267 = arith.constant 0 : i32
    %dma_start3A_268 = arith.constant 0 : i32
    %dma_start3A_269 = tpu.memref_slice %arg6[%dma_start3A_267, %dma_start3A_268] : memref<4096x64xf32, #tpu.memory_space<hbm>> -> memref<4096x64xf32, #tpu.memory_space<hbm>>
    tpu.enqueue_indirect_dma source(%dma_start3A_269 : memref<4096x64xf32, #tpu.memory_space<hbm>>) target(%arg24 : memref<64x64xf32, #tpu.memory_space<vmem>>) offsets(%arg22 : memref<64xi32, #tpu.memory_space<vmem>>) semaphore(%arg25 : memref<!tpu.dma_semaphore, #tpu.memory_space<semaphore_mem>>)
    %dma_wait3A_270 = arith.constant 0 : i32
    %dma_wait3A_271 = arith.constant 0 : i32
    %dma_wait3A_272 = tpu.memref_slice %arg6[%dma_wait3A_270, %dma_wait3A_271] : memref<4096x64xf32, #tpu.memory_space<hbm>> -> memref<4096x64xf32, #tpu.memory_space<hbm>>
    tpu.wait_indirect_dma semaphore(%arg25 : memref<!tpu.dma_semaphore, #tpu.memory_space<semaphore_mem>>) src(%dma_wait3A_272 : memref<4096x64xf32, #tpu.memory_space<hbm>>) dst(%arg23 : memref<64x64xf32, #tpu.memory_space<vmem>>)
    %dma_wait3A_273 = arith.constant 0 : i32
    %dma_wait3A_274 = arith.constant 0 : i32
    %dma_wait3A_275 = tpu.memref_slice %arg6[%dma_wait3A_273, %dma_wait3A_274] : memref<4096x64xf32, #tpu.memory_space<hbm>> -> memref<4096x64xf32, #tpu.memory_space<hbm>>
    tpu.wait_indirect_dma semaphore(%arg25 : memref<!tpu.dma_semaphore, #tpu.memory_space<semaphore_mem>>) src(%dma_wait3A_275 : memref<4096x64xf32, #tpu.memory_space<hbm>>) dst(%arg24 : memref<64x64xf32, #tpu.memory_space<vmem>>)
    "tpu.region"() ({
      %run_scoped3A = tpu.sem_alloc : memref<!tpu.dma_semaphore, #tpu.memory_space<semaphore_mem>>
      %dma_start3A_276 = arith.constant 0 : i32
      %dma_start3A_277 = tpu.memref_slice %arg7[%mul3A_2, %dma_start3A_276] : memref<2048x64xf32, #tpu.memory_space<hbm>> -> memref<64x64xf32, #tpu.memory_space<hbm>>
      %dma_start3A_278 = arith.constant 0 : i32
      %dma_start3A_279 = tpu.memref_slice %arg7[%mul3A_2, %dma_start3A_278] : memref<2048x64xf32, #tpu.memory_space<hbm>> -> memref<64x64xf32, #tpu.memory_space<hbm>>
      tpu.enqueue_dma source(%arg23 : memref<64x64xf32, #tpu.memory_space<vmem>>) target(%dma_start3A_279 : memref<64x64xf32, #tpu.memory_space<hbm>>) target_semaphore(%run_scoped3A : memref<!tpu.dma_semaphore, #tpu.memory_space<semaphore_mem>>)
      %dma_wait3A_280 = arith.constant 0 : i32
      %dma_wait3A_281 = tpu.memref_slice %arg7[%mul3A_2, %dma_wait3A_280] : memref<2048x64xf32, #tpu.memory_space<hbm>> -> memref<64x64xf32, #tpu.memory_space<hbm>>
      %dma_wait3A_282 = arith.constant 0 : i32
      %dma_wait3A_283 = tpu.memref_slice %arg7[%mul3A_2, %dma_wait3A_282] : memref<2048x64xf32, #tpu.memory_space<hbm>> -> memref<64x64xf32, #tpu.memory_space<hbm>>
      tpu.wait_dma2 semaphore(%run_scoped3A : memref<!tpu.dma_semaphore, #tpu.memory_space<semaphore_mem>>) src(%arg23 : memref<64x64xf32, #tpu.memory_space<vmem>>) dst(%dma_wait3A_283 : memref<64x64xf32, #tpu.memory_space<hbm>>)
      tpu.yield
    }) : () -> ()
    "tpu.region"() ({
      %run_scoped3A = tpu.sem_alloc : memref<!tpu.dma_semaphore, #tpu.memory_space<semaphore_mem>>
      %dma_start3A_276 = arith.constant 0 : i32
      %dma_start3A_277 = tpu.memref_slice %arg8[%mul3A_2, %dma_start3A_276] : memref<2048x64xf32, #tpu.memory_space<hbm>> -> memref<64x64xf32, #tpu.memory_space<hbm>>
      %dma_start3A_278 = arith.constant 0 : i32
      %dma_start3A_279 = tpu.memref_slice %arg8[%mul3A_2, %dma_start3A_278] : memref<2048x64xf32, #tpu.memory_space<hbm>> -> memref<64x64xf32, #tpu.memory_space<hbm>>
      tpu.enqueue_dma source(%arg24 : memref<64x64xf32, #tpu.memory_space<vmem>>) target(%dma_start3A_279 : memref<64x64xf32, #tpu.memory_space<hbm>>) target_semaphore(%run_scoped3A : memref<!tpu.dma_semaphore, #tpu.memory_space<semaphore_mem>>)
      %dma_wait3A_280 = arith.constant 0 : i32
      %dma_wait3A_281 = tpu.memref_slice %arg8[%mul3A_2, %dma_wait3A_280] : memref<2048x64xf32, #tpu.memory_space<hbm>> -> memref<64x64xf32, #tpu.memory_space<hbm>>
      %dma_wait3A_282 = arith.constant 0 : i32
      %dma_wait3A_283 = tpu.memref_slice %arg8[%mul3A_2, %dma_wait3A_282] : memref<2048x64xf32, #tpu.memory_space<hbm>> -> memref<64x64xf32, #tpu.memory_space<hbm>>
      tpu.wait_dma2 semaphore(%run_scoped3A : memref<!tpu.dma_semaphore, #tpu.memory_space<semaphore_mem>>) src(%arg24 : memref<64x64xf32, #tpu.memory_space<vmem>>) dst(%dma_wait3A_283 : memref<64x64xf32, #tpu.memory_space<hbm>>)
      tpu.yield
    }) : () -> ()
    return
  }
}

module attributes {stable_mosaic.version = 14 : i64} {
  func.func @_tc_msg_body(%arg0: i32, %arg1: memref<1024x1xf32, #tpu.memory_space<vmem>>, %arg2: memref<1024x16xf32, #tpu.memory_space<vmem>>, %arg3: memref<1024x64xf32, #tpu.memory_space<vmem>>, %arg4: memref<1024x64xf32, #tpu.memory_space<vmem>>, %arg5: memref<1x16xf32, #tpu.memory_space<vmem>>, %arg6: memref<1x16xf32, #tpu.memory_space<vmem>>, %arg7: memref<32x64xf32, #tpu.memory_space<vmem>>, %arg8: memref<1x64xf32, #tpu.memory_space<vmem>>, %arg9: memref<128x8192xbf16, #tpu.memory_space<vmem>>, %arg10: memref<64x128xf32, #tpu.memory_space<vmem>>, %arg11: memref<2x1024x64xf32, #tpu.memory_space<vmem>>, %arg12: memref<8192x1024xbf16, #tpu.memory_space<vmem>>) attributes {dimension_semantics = [#tpu.dimension_semantics<arbitrary>], iteration_bounds = array<i64: 2>, scalar_prefetch = 0 : i64, scratch_operands = 1 : i64, tpu.core_type = #tpu.core_type<tc>, window_params = [{transform_indices = @transform_0, window_bounds = array<i64: 1024, 1>}, {transform_indices = @transform_1, window_bounds = array<i64: 1024, 16>}, {transform_indices = @transform_2, window_bounds = array<i64: 1024, 64>}, {transform_indices = @transform_3, window_bounds = array<i64: 1024, 64>}, {pipeline_mode = #tpu.pipeline_mode<synchronous>, transform_indices = @transform_4, window_bounds = array<i64: 1, 16>}, {pipeline_mode = #tpu.pipeline_mode<synchronous>, transform_indices = @transform_5, window_bounds = array<i64: 1, 16>}, {pipeline_mode = #tpu.pipeline_mode<synchronous>, transform_indices = @transform_6, window_bounds = array<i64: 32, 64>}, {pipeline_mode = #tpu.pipeline_mode<synchronous>, transform_indices = @transform_7, window_bounds = array<i64: 1, 64>}, {pipeline_mode = #tpu.pipeline_mode<synchronous>, transform_indices = @transform_8, window_bounds = array<i64: 128, 8192>}, {pipeline_mode = #tpu.pipeline_mode<synchronous>, transform_indices = @transform_9, window_bounds = array<i64: 64, 128>}, {transform_indices = @transform_10, window_bounds = array<i64: 2, 1024, 64>}]} {
    %get3A = arith.constant 0 : index
    %get3A_0 = arith.constant 0 : index
    %get3A_1 = vector.load %arg1[%get3A, %get3A_0] : memref<1024x1xf32, #tpu.memory_space<vmem>>, vector<1024x1xf32>
    %get3A_2 = arith.constant 0 : index
    %get3A_3 = arith.constant 0 : index
    %get3A_4 = vector.load %arg5[%get3A_2, %get3A_3] : memref<1x16xf32, #tpu.memory_space<vmem>>, vector<1x16xf32>
    %mul3A = vector.broadcast %get3A_1 : vector<1024x1xf32> to vector<1024x16xf32>
    %mul3A_5 = vector.broadcast %get3A_4 : vector<1x16xf32> to vector<1024x16xf32>
    %mul3A_6 = arith.mulf %mul3A, %mul3A_5 : vector<1024x16xf32>
    %get3A_7 = arith.constant 0 : index
    %get3A_8 = arith.constant 0 : index
    %get3A_9 = vector.load %arg6[%get3A_7, %get3A_8] : memref<1x16xf32, #tpu.memory_space<vmem>>, vector<1x16xf32>
    %add3A = vector.broadcast %get3A_9 : vector<1x16xf32> to vector<1024x16xf32>
    %add3A_10 = arith.addf %mul3A_6, %add3A : vector<1024x16xf32>
    %cos3A = math.cos %add3A_10 : vector<1024x16xf32>
    %get3A_11 = arith.constant 0 : index
    %get3A_12 = arith.constant 0 : index
    %get3A_13 = vector.load %arg2[%get3A_11, %get3A_12] : memref<1024x16xf32, #tpu.memory_space<vmem>>, vector<1024x16xf32>
    %concatenate3A = tpu.concatenate %get3A_13, %cos3A in 1 : vector<1024x16xf32>, vector<1024x16xf32> -> vector<1024x32xf32>
    %get3A_14 = arith.constant 0 : index
    %get3A_15 = arith.constant 0 : index
    %get3A_16 = vector.load %arg7[%get3A_14, %get3A_15] : memref<32x64xf32, #tpu.memory_space<vmem>>, vector<32x64xf32>
    %dot_general3A = arith.constant dense<0.000000e+00> : vector<1024x64xf32>
    %dot_general3A_17 = tpu.matmul %concatenate3A, %get3A_16, %dot_general3A {dimension_numbers = #tpu.dot_dimension_numbers<[1], [0], [0], [1], [0, 0, 1, 1], [], []>, transpose_lhs_hint = false} : vector<1024x32xf32>, vector<32x64xf32>, vector<1024x64xf32> -> vector<1024x64xf32>
    %get3A_18 = arith.constant 0 : index
    %get3A_19 = arith.constant 0 : index
    %get3A_20 = vector.load %arg8[%get3A_18, %get3A_19] : memref<1x64xf32, #tpu.memory_space<vmem>>, vector<1x64xf32>
    %add3A_21 = vector.broadcast %get3A_20 : vector<1x64xf32> to vector<1024x64xf32>
    %add3A_22 = arith.addf %dot_general3A_17, %add3A_21 : vector<1024x64xf32>
    %max3A = arith.constant 0.000000e+00 : f32
    %max3A_23 = vector.broadcast %max3A : f32 to vector<1024x64xf32>
    %max3A_24 = arith.maximumf %add3A_22, %max3A_23 : vector<1024x64xf32>
    %transpose3A = tpu.transpose %max3A_24, [1, 0] : vector<1024x64xf32> -> vector<64x1024xf32>
    %get3A_25 = arith.constant 0 : index
    %get3A_26 = arith.constant 0 : index
    %get3A_27 = vector.load %arg3[%get3A_25, %get3A_26] : memref<1024x64xf32, #tpu.memory_space<vmem>>, vector<1024x64xf32>
    %get3A_28 = arith.constant 0 : index
    %get3A_29 = arith.constant 0 : index
    %get3A_30 = vector.load %arg4[%get3A_28, %get3A_29] : memref<1024x64xf32, #tpu.memory_space<vmem>>, vector<1024x64xf32>
    %concatenate3A_31 = tpu.concatenate %get3A_27, %get3A_30 in 1 : vector<1024x64xf32>, vector<1024x64xf32> -> vector<1024x128xf32>
    %transpose3A_32 = tpu.transpose %concatenate3A_31, [1, 0] : vector<1024x128xf32> -> vector<128x1024xf32>
    %slice3A = vector.extract_strided_slice %transpose3A {offsets = [0, 0], sizes = [1, 1024], strides = [1, 1]} : vector<64x1024xf32> to vector<1x1024xf32>
    %mul3A_33 = vector.broadcast %slice3A : vector<1x1024xf32> to vector<128x1024xf32>
    %mul3A_34 = arith.mulf %mul3A_33, %transpose3A_32 : vector<128x1024xf32>
    %convert_element_type3A = arith.truncf %mul3A_34 : vector<128x1024xf32> to vector<128x1024xbf16>
    %swap3A = arith.constant 0 : index
    %swap3A_35 = arith.constant 0 : index
    %swap3A_36 = vector.load %arg12[%swap3A, %swap3A_35] : memref<8192x1024xbf16, #tpu.memory_space<vmem>>, vector<128x1024xbf16>
    tpu.vector_store %arg12[%swap3A, %swap3A_35], %convert_element_type3A {strides = array<i32>} : memref<8192x1024xbf16, #tpu.memory_space<vmem>>, vector<128x1024xbf16>,
    %slice3A_37 = vector.extract_strided_slice %transpose3A {offsets = [1, 0], sizes = [1, 1024], strides = [1, 1]} : vector<64x1024xf32> to vector<1x1024xf32>
    %mul3A_38 = vector.broadcast %slice3A_37 : vector<1x1024xf32> to vector<128x1024xf32>
    %mul3A_39 = arith.mulf %mul3A_38, %transpose3A_32 : vector<128x1024xf32>
    %convert_element_type3A_40 = arith.truncf %mul3A_39 : vector<128x1024xf32> to vector<128x1024xbf16>
    %swap3A_41 = arith.constant 128 : index
    %swap3A_42 = arith.constant 0 : index
    %swap3A_43 = vector.load %arg12[%swap3A_41, %swap3A_42] : memref<8192x1024xbf16, #tpu.memory_space<vmem>>, vector<128x1024xbf16>
    tpu.vector_store %arg12[%swap3A_41, %swap3A_42], %convert_element_type3A_40 {strides = array<i32>} : memref<8192x1024xbf16, #tpu.memory_space<vmem>>, vector<128x1024xbf16>,
    %slice3A_44 = vector.extract_strided_slice %transpose3A {offsets = [2, 0], sizes = [1, 1024], strides = [1, 1]} : vector<64x1024xf32> to vector<1x1024xf32>
    %mul3A_45 = vector.broadcast %slice3A_44 : vector<1x1024xf32> to vector<128x1024xf32>
    %mul3A_46 = arith.mulf %mul3A_45, %transpose3A_32 : vector<128x1024xf32>
    %convert_element_type3A_47 = arith.truncf %mul3A_46 : vector<128x1024xf32> to vector<128x1024xbf16>
    %swap3A_48 = arith.constant 256 : index
    %swap3A_49 = arith.constant 0 : index
    %swap3A_50 = vector.load %arg12[%swap3A_48, %swap3A_49] : memref<8192x1024xbf16, #tpu.memory_space<vmem>>, vector<128x1024xbf16>
    tpu.vector_store %arg12[%swap3A_48, %swap3A_49], %convert_element_type3A_47 {strides = array<i32>} : memref<8192x1024xbf16, #tpu.memory_space<vmem>>, vector<128x1024xbf16>,
    %slice3A_51 = vector.extract_strided_slice %transpose3A {offsets = [3, 0], sizes = [1, 1024], strides = [1, 1]} : vector<64x1024xf32> to vector<1x1024xf32>
    %mul3A_52 = vector.broadcast %slice3A_51 : vector<1x1024xf32> to vector<128x1024xf32>
    %mul3A_53 = arith.mulf %mul3A_52, %transpose3A_32 : vector<128x1024xf32>
    %convert_element_type3A_54 = arith.truncf %mul3A_53 : vector<128x1024xf32> to vector<128x1024xbf16>
    %swap3A_55 = arith.constant 384 : index
    %swap3A_56 = arith.constant 0 : index
    %swap3A_57 = vector.load %arg12[%swap3A_55, %swap3A_56] : memref<8192x1024xbf16, #tpu.memory_space<vmem>>, vector<128x1024xbf16>
    tpu.vector_store %arg12[%swap3A_55, %swap3A_56], %convert_element_type3A_54 {strides = array<i32>} : memref<8192x1024xbf16, #tpu.memory_space<vmem>>, vector<128x1024xbf16>,
    %slice3A_58 = vector.extract_strided_slice %transpose3A {offsets = [4, 0], sizes = [1, 1024], strides = [1, 1]} : vector<64x1024xf32> to vector<1x1024xf32>
    %mul3A_59 = vector.broadcast %slice3A_58 : vector<1x1024xf32> to vector<128x1024xf32>
    %mul3A_60 = arith.mulf %mul3A_59, %transpose3A_32 : vector<128x1024xf32>
    %convert_element_type3A_61 = arith.truncf %mul3A_60 : vector<128x1024xf32> to vector<128x1024xbf16>
    %swap3A_62 = arith.constant 512 : index
    %swap3A_63 = arith.constant 0 : index
    %swap3A_64 = vector.load %arg12[%swap3A_62, %swap3A_63] : memref<8192x1024xbf16, #tpu.memory_space<vmem>>, vector<128x1024xbf16>
    tpu.vector_store %arg12[%swap3A_62, %swap3A_63], %convert_element_type3A_61 {strides = array<i32>} : memref<8192x1024xbf16, #tpu.memory_space<vmem>>, vector<128x1024xbf16>,
    %slice3A_65 = vector.extract_strided_slice %transpose3A {offsets = [5, 0], sizes = [1, 1024], strides = [1, 1]} : vector<64x1024xf32> to vector<1x1024xf32>
    %mul3A_66 = vector.broadcast %slice3A_65 : vector<1x1024xf32> to vector<128x1024xf32>
    %mul3A_67 = arith.mulf %mul3A_66, %transpose3A_32 : vector<128x1024xf32>
    %convert_element_type3A_68 = arith.truncf %mul3A_67 : vector<128x1024xf32> to vector<128x1024xbf16>
    %swap3A_69 = arith.constant 640 : index
    %swap3A_70 = arith.constant 0 : index
    %swap3A_71 = vector.load %arg12[%swap3A_69, %swap3A_70] : memref<8192x1024xbf16, #tpu.memory_space<vmem>>, vector<128x1024xbf16>
    tpu.vector_store %arg12[%swap3A_69, %swap3A_70], %convert_element_type3A_68 {strides = array<i32>} : memref<8192x1024xbf16, #tpu.memory_space<vmem>>, vector<128x1024xbf16>,
    %slice3A_72 = vector.extract_strided_slice %transpose3A {offsets = [6, 0], sizes = [1, 1024], strides = [1, 1]} : vector<64x1024xf32> to vector<1x1024xf32>
    %mul3A_73 = vector.broadcast %slice3A_72 : vector<1x1024xf32> to vector<128x1024xf32>
    %mul3A_74 = arith.mulf %mul3A_73, %transpose3A_32 : vector<128x1024xf32>
    %convert_element_type3A_75 = arith.truncf %mul3A_74 : vector<128x1024xf32> to vector<128x1024xbf16>
    %swap3A_76 = arith.constant 768 : index
    %swap3A_77 = arith.constant 0 : index
    %swap3A_78 = vector.load %arg12[%swap3A_76, %swap3A_77] : memref<8192x1024xbf16, #tpu.memory_space<vmem>>, vector<128x1024xbf16>
    tpu.vector_store %arg12[%swap3A_76, %swap3A_77], %convert_element_type3A_75 {strides = array<i32>} : memref<8192x1024xbf16, #tpu.memory_space<vmem>>, vector<128x1024xbf16>,
    %slice3A_79 = vector.extract_strided_slice %transpose3A {offsets = [7, 0], sizes = [1, 1024], strides = [1, 1]} : vector<64x1024xf32> to vector<1x1024xf32>
    %mul3A_80 = vector.broadcast %slice3A_79 : vector<1x1024xf32> to vector<128x1024xf32>
    %mul3A_81 = arith.mulf %mul3A_80, %transpose3A_32 : vector<128x1024xf32>
    %convert_element_type3A_82 = arith.truncf %mul3A_81 : vector<128x1024xf32> to vector<128x1024xbf16>
    %swap3A_83 = arith.constant 896 : index
    %swap3A_84 = arith.constant 0 : index
    %swap3A_85 = vector.load %arg12[%swap3A_83, %swap3A_84] : memref<8192x1024xbf16, #tpu.memory_space<vmem>>, vector<128x1024xbf16>
    tpu.vector_store %arg12[%swap3A_83, %swap3A_84], %convert_element_type3A_82 {strides = array<i32>} : memref<8192x1024xbf16, #tpu.memory_space<vmem>>, vector<128x1024xbf16>,
    %slice3A_86 = vector.extract_strided_slice %transpose3A {offsets = [8, 0], sizes = [1, 1024], strides = [1, 1]} : vector<64x1024xf32> to vector<1x1024xf32>
    %mul3A_87 = vector.broadcast %slice3A_86 : vector<1x1024xf32> to vector<128x1024xf32>
    %mul3A_88 = arith.mulf %mul3A_87, %transpose3A_32 : vector<128x1024xf32>
    %convert_element_type3A_89 = arith.truncf %mul3A_88 : vector<128x1024xf32> to vector<128x1024xbf16>
    %swap3A_90 = arith.constant 1024 : index
    %swap3A_91 = arith.constant 0 : index
    %swap3A_92 = vector.load %arg12[%swap3A_90, %swap3A_91] : memref<8192x1024xbf16, #tpu.memory_space<vmem>>, vector<128x1024xbf16>
    tpu.vector_store %arg12[%swap3A_90, %swap3A_91], %convert_element_type3A_89 {strides = array<i32>} : memref<8192x1024xbf16, #tpu.memory_space<vmem>>, vector<128x1024xbf16>,
    %slice3A_93 = vector.extract_strided_slice %transpose3A {offsets = [9, 0], sizes = [1, 1024], strides = [1, 1]} : vector<64x1024xf32> to vector<1x1024xf32>
    %mul3A_94 = vector.broadcast %slice3A_93 : vector<1x1024xf32> to vector<128x1024xf32>
    %mul3A_95 = arith.mulf %mul3A_94, %transpose3A_32 : vector<128x1024xf32>
    %convert_element_type3A_96 = arith.truncf %mul3A_95 : vector<128x1024xf32> to vector<128x1024xbf16>
    %swap3A_97 = arith.constant 1152 : index
    %swap3A_98 = arith.constant 0 : index
    %swap3A_99 = vector.load %arg12[%swap3A_97, %swap3A_98] : memref<8192x1024xbf16, #tpu.memory_space<vmem>>, vector<128x1024xbf16>
    tpu.vector_store %arg12[%swap3A_97, %swap3A_98], %convert_element_type3A_96 {strides = array<i32>} : memref<8192x1024xbf16, #tpu.memory_space<vmem>>, vector<128x1024xbf16>,
    %slice3A_100 = vector.extract_strided_slice %transpose3A {offsets = [10, 0], sizes = [1, 1024], strides = [1, 1]} : vector<64x1024xf32> to vector<1x1024xf32>
    %mul3A_101 = vector.broadcast %slice3A_100 : vector<1x1024xf32> to vector<128x1024xf32>
    %mul3A_102 = arith.mulf %mul3A_101, %transpose3A_32 : vector<128x1024xf32>
    %convert_element_type3A_103 = arith.truncf %mul3A_102 : vector<128x1024xf32> to vector<128x1024xbf16>
    %swap3A_104 = arith.constant 1280 : index
    %swap3A_105 = arith.constant 0 : index
    %swap3A_106 = vector.load %arg12[%swap3A_104, %swap3A_105] : memref<8192x1024xbf16, #tpu.memory_space<vmem>>, vector<128x1024xbf16>
    tpu.vector_store %arg12[%swap3A_104, %swap3A_105], %convert_element_type3A_103 {strides = array<i32>} : memref<8192x1024xbf16, #tpu.memory_space<vmem>>, vector<128x1024xbf16>,
    %slice3A_107 = vector.extract_strided_slice %transpose3A {offsets = [11, 0], sizes = [1, 1024], strides = [1, 1]} : vector<64x1024xf32> to vector<1x1024xf32>
    %mul3A_108 = vector.broadcast %slice3A_107 : vector<1x1024xf32> to vector<128x1024xf32>
    %mul3A_109 = arith.mulf %mul3A_108, %transpose3A_32 : vector<128x1024xf32>
    %convert_element_type3A_110 = arith.truncf %mul3A_109 : vector<128x1024xf32> to vector<128x1024xbf16>
    %swap3A_111 = arith.constant 1408 : index
    %swap3A_112 = arith.constant 0 : index
    %swap3A_113 = vector.load %arg12[%swap3A_111, %swap3A_112] : memref<8192x1024xbf16, #tpu.memory_space<vmem>>, vector<128x1024xbf16>
    tpu.vector_store %arg12[%swap3A_111, %swap3A_112], %convert_element_type3A_110 {strides = array<i32>} : memref<8192x1024xbf16, #tpu.memory_space<vmem>>, vector<128x1024xbf16>,
    %slice3A_114 = vector.extract_strided_slice %transpose3A {offsets = [12, 0], sizes = [1, 1024], strides = [1, 1]} : vector<64x1024xf32> to vector<1x1024xf32>
    %mul3A_115 = vector.broadcast %slice3A_114 : vector<1x1024xf32> to vector<128x1024xf32>
    %mul3A_116 = arith.mulf %mul3A_115, %transpose3A_32 : vector<128x1024xf32>
    %convert_element_type3A_117 = arith.truncf %mul3A_116 : vector<128x1024xf32> to vector<128x1024xbf16>
    %swap3A_118 = arith.constant 1536 : index
    %swap3A_119 = arith.constant 0 : index
    %swap3A_120 = vector.load %arg12[%swap3A_118, %swap3A_119] : memref<8192x1024xbf16, #tpu.memory_space<vmem>>, vector<128x1024xbf16>
    tpu.vector_store %arg12[%swap3A_118, %swap3A_119], %convert_element_type3A_117 {strides = array<i32>} : memref<8192x1024xbf16, #tpu.memory_space<vmem>>, vector<128x1024xbf16>,
    %slice3A_121 = vector.extract_strided_slice %transpose3A {offsets = [13, 0], sizes = [1, 1024], strides = [1, 1]} : vector<64x1024xf32> to vector<1x1024xf32>
    %mul3A_122 = vector.broadcast %slice3A_121 : vector<1x1024xf32> to vector<128x1024xf32>
    %mul3A_123 = arith.mulf %mul3A_122, %transpose3A_32 : vector<128x1024xf32>
    %convert_element_type3A_124 = arith.truncf %mul3A_123 : vector<128x1024xf32> to vector<128x1024xbf16>
    %swap3A_125 = arith.constant 1664 : index
    %swap3A_126 = arith.constant 0 : index
    %swap3A_127 = vector.load %arg12[%swap3A_125, %swap3A_126] : memref<8192x1024xbf16, #tpu.memory_space<vmem>>, vector<128x1024xbf16>
    tpu.vector_store %arg12[%swap3A_125, %swap3A_126], %convert_element_type3A_124 {strides = array<i32>} : memref<8192x1024xbf16, #tpu.memory_space<vmem>>, vector<128x1024xbf16>,
    %slice3A_128 = vector.extract_strided_slice %transpose3A {offsets = [14, 0], sizes = [1, 1024], strides = [1, 1]} : vector<64x1024xf32> to vector<1x1024xf32>
    %mul3A_129 = vector.broadcast %slice3A_128 : vector<1x1024xf32> to vector<128x1024xf32>
    %mul3A_130 = arith.mulf %mul3A_129, %transpose3A_32 : vector<128x1024xf32>
    %convert_element_type3A_131 = arith.truncf %mul3A_130 : vector<128x1024xf32> to vector<128x1024xbf16>
    %swap3A_132 = arith.constant 1792 : index
    %swap3A_133 = arith.constant 0 : index
    %swap3A_134 = vector.load %arg12[%swap3A_132, %swap3A_133] : memref<8192x1024xbf16, #tpu.memory_space<vmem>>, vector<128x1024xbf16>
    tpu.vector_store %arg12[%swap3A_132, %swap3A_133], %convert_element_type3A_131 {strides = array<i32>} : memref<8192x1024xbf16, #tpu.memory_space<vmem>>, vector<128x1024xbf16>,
    %slice3A_135 = vector.extract_strided_slice %transpose3A {offsets = [15, 0], sizes = [1, 1024], strides = [1, 1]} : vector<64x1024xf32> to vector<1x1024xf32>
    %mul3A_136 = vector.broadcast %slice3A_135 : vector<1x1024xf32> to vector<128x1024xf32>
    %mul3A_137 = arith.mulf %mul3A_136, %transpose3A_32 : vector<128x1024xf32>
    %convert_element_type3A_138 = arith.truncf %mul3A_137 : vector<128x1024xf32> to vector<128x1024xbf16>
    %swap3A_139 = arith.constant 1920 : index
    %swap3A_140 = arith.constant 0 : index
    %swap3A_141 = vector.load %arg12[%swap3A_139, %swap3A_140] : memref<8192x1024xbf16, #tpu.memory_space<vmem>>, vector<128x1024xbf16>
    tpu.vector_store %arg12[%swap3A_139, %swap3A_140], %convert_element_type3A_138 {strides = array<i32>} : memref<8192x1024xbf16, #tpu.memory_space<vmem>>, vector<128x1024xbf16>,
    %slice3A_142 = vector.extract_strided_slice %transpose3A {offsets = [16, 0], sizes = [1, 1024], strides = [1, 1]} : vector<64x1024xf32> to vector<1x1024xf32>
    %mul3A_143 = vector.broadcast %slice3A_142 : vector<1x1024xf32> to vector<128x1024xf32>
    %mul3A_144 = arith.mulf %mul3A_143, %transpose3A_32 : vector<128x1024xf32>
    %convert_element_type3A_145 = arith.truncf %mul3A_144 : vector<128x1024xf32> to vector<128x1024xbf16>
    %swap3A_146 = arith.constant 2048 : index
    %swap3A_147 = arith.constant 0 : index
    %swap3A_148 = vector.load %arg12[%swap3A_146, %swap3A_147] : memref<8192x1024xbf16, #tpu.memory_space<vmem>>, vector<128x1024xbf16>
    tpu.vector_store %arg12[%swap3A_146, %swap3A_147], %convert_element_type3A_145 {strides = array<i32>} : memref<8192x1024xbf16, #tpu.memory_space<vmem>>, vector<128x1024xbf16>,
    %slice3A_149 = vector.extract_strided_slice %transpose3A {offsets = [17, 0], sizes = [1, 1024], strides = [1, 1]} : vector<64x1024xf32> to vector<1x1024xf32>
    %mul3A_150 = vector.broadcast %slice3A_149 : vector<1x1024xf32> to vector<128x1024xf32>
    %mul3A_151 = arith.mulf %mul3A_150, %transpose3A_32 : vector<128x1024xf32>
    %convert_element_type3A_152 = arith.truncf %mul3A_151 : vector<128x1024xf32> to vector<128x1024xbf16>
    %swap3A_153 = arith.constant 2176 : index
    %swap3A_154 = arith.constant 0 : index
    %swap3A_155 = vector.load %arg12[%swap3A_153, %swap3A_154] : memref<8192x1024xbf16, #tpu.memory_space<vmem>>, vector<128x1024xbf16>
    tpu.vector_store %arg12[%swap3A_153, %swap3A_154], %convert_element_type3A_152 {strides = array<i32>} : memref<8192x1024xbf16, #tpu.memory_space<vmem>>, vector<128x1024xbf16>,
    %slice3A_156 = vector.extract_strided_slice %transpose3A {offsets = [18, 0], sizes = [1, 1024], strides = [1, 1]} : vector<64x1024xf32> to vector<1x1024xf32>
    %mul3A_157 = vector.broadcast %slice3A_156 : vector<1x1024xf32> to vector<128x1024xf32>
    %mul3A_158 = arith.mulf %mul3A_157, %transpose3A_32 : vector<128x1024xf32>
    %convert_element_type3A_159 = arith.truncf %mul3A_158 : vector<128x1024xf32> to vector<128x1024xbf16>
    %swap3A_160 = arith.constant 2304 : index
    %swap3A_161 = arith.constant 0 : index
    %swap3A_162 = vector.load %arg12[%swap3A_160, %swap3A_161] : memref<8192x1024xbf16, #tpu.memory_space<vmem>>, vector<128x1024xbf16>
    tpu.vector_store %arg12[%swap3A_160, %swap3A_161], %convert_element_type3A_159 {strides = array<i32>} : memref<8192x1024xbf16, #tpu.memory_space<vmem>>, vector<128x1024xbf16>,
    %slice3A_163 = vector.extract_strided_slice %transpose3A {offsets = [19, 0], sizes = [1, 1024], strides = [1, 1]} : vector<64x1024xf32> to vector<1x1024xf32>
    %mul3A_164 = vector.broadcast %slice3A_163 : vector<1x1024xf32> to vector<128x1024xf32>
    %mul3A_165 = arith.mulf %mul3A_164, %transpose3A_32 : vector<128x1024xf32>
    %convert_element_type3A_166 = arith.truncf %mul3A_165 : vector<128x1024xf32> to vector<128x1024xbf16>
    %swap3A_167 = arith.constant 2432 : index
    %swap3A_168 = arith.constant 0 : index
    %swap3A_169 = vector.load %arg12[%swap3A_167, %swap3A_168] : memref<8192x1024xbf16, #tpu.memory_space<vmem>>, vector<128x1024xbf16>
    tpu.vector_store %arg12[%swap3A_167, %swap3A_168], %convert_element_type3A_166 {strides = array<i32>} : memref<8192x1024xbf16, #tpu.memory_space<vmem>>, vector<128x1024xbf16>,
    %slice3A_170 = vector.extract_strided_slice %transpose3A {offsets = [20, 0], sizes = [1, 1024], strides = [1, 1]} : vector<64x1024xf32> to vector<1x1024xf32>
    %mul3A_171 = vector.broadcast %slice3A_170 : vector<1x1024xf32> to vector<128x1024xf32>
    %mul3A_172 = arith.mulf %mul3A_171, %transpose3A_32 : vector<128x1024xf32>
    %convert_element_type3A_173 = arith.truncf %mul3A_172 : vector<128x1024xf32> to vector<128x1024xbf16>
    %swap3A_174 = arith.constant 2560 : index
    %swap3A_175 = arith.constant 0 : index
    %swap3A_176 = vector.load %arg12[%swap3A_174, %swap3A_175] : memref<8192x1024xbf16, #tpu.memory_space<vmem>>, vector<128x1024xbf16>
    tpu.vector_store %arg12[%swap3A_174, %swap3A_175], %convert_element_type3A_173 {strides = array<i32>} : memref<8192x1024xbf16, #tpu.memory_space<vmem>>, vector<128x1024xbf16>,
    %slice3A_177 = vector.extract_strided_slice %transpose3A {offsets = [21, 0], sizes = [1, 1024], strides = [1, 1]} : vector<64x1024xf32> to vector<1x1024xf32>
    %mul3A_178 = vector.broadcast %slice3A_177 : vector<1x1024xf32> to vector<128x1024xf32>
    %mul3A_179 = arith.mulf %mul3A_178, %transpose3A_32 : vector<128x1024xf32>
    %convert_element_type3A_180 = arith.truncf %mul3A_179 : vector<128x1024xf32> to vector<128x1024xbf16>
    %swap3A_181 = arith.constant 2688 : index
    %swap3A_182 = arith.constant 0 : index
    %swap3A_183 = vector.load %arg12[%swap3A_181, %swap3A_182] : memref<8192x1024xbf16, #tpu.memory_space<vmem>>, vector<128x1024xbf16>
    tpu.vector_store %arg12[%swap3A_181, %swap3A_182], %convert_element_type3A_180 {strides = array<i32>} : memref<8192x1024xbf16, #tpu.memory_space<vmem>>, vector<128x1024xbf16>,
    %slice3A_184 = vector.extract_strided_slice %transpose3A {offsets = [22, 0], sizes = [1, 1024], strides = [1, 1]} : vector<64x1024xf32> to vector<1x1024xf32>
    %mul3A_185 = vector.broadcast %slice3A_184 : vector<1x1024xf32> to vector<128x1024xf32>
    %mul3A_186 = arith.mulf %mul3A_185, %transpose3A_32 : vector<128x1024xf32>
    %convert_element_type3A_187 = arith.truncf %mul3A_186 : vector<128x1024xf32> to vector<128x1024xbf16>
    %swap3A_188 = arith.constant 2816 : index
    %swap3A_189 = arith.constant 0 : index
    %swap3A_190 = vector.load %arg12[%swap3A_188, %swap3A_189] : memref<8192x1024xbf16, #tpu.memory_space<vmem>>, vector<128x1024xbf16>
    tpu.vector_store %arg12[%swap3A_188, %swap3A_189], %convert_element_type3A_187 {strides = array<i32>} : memref<8192x1024xbf16, #tpu.memory_space<vmem>>, vector<128x1024xbf16>,
    %slice3A_191 = vector.extract_strided_slice %transpose3A {offsets = [23, 0], sizes = [1, 1024], strides = [1, 1]} : vector<64x1024xf32> to vector<1x1024xf32>
    %mul3A_192 = vector.broadcast %slice3A_191 : vector<1x1024xf32> to vector<128x1024xf32>
    %mul3A_193 = arith.mulf %mul3A_192, %transpose3A_32 : vector<128x1024xf32>
    %convert_element_type3A_194 = arith.truncf %mul3A_193 : vector<128x1024xf32> to vector<128x1024xbf16>
    %swap3A_195 = arith.constant 2944 : index
    %swap3A_196 = arith.constant 0 : index
    %swap3A_197 = vector.load %arg12[%swap3A_195, %swap3A_196] : memref<8192x1024xbf16, #tpu.memory_space<vmem>>, vector<128x1024xbf16>
    tpu.vector_store %arg12[%swap3A_195, %swap3A_196], %convert_element_type3A_194 {strides = array<i32>} : memref<8192x1024xbf16, #tpu.memory_space<vmem>>, vector<128x1024xbf16>,
    %slice3A_198 = vector.extract_strided_slice %transpose3A {offsets = [24, 0], sizes = [1, 1024], strides = [1, 1]} : vector<64x1024xf32> to vector<1x1024xf32>
    %mul3A_199 = vector.broadcast %slice3A_198 : vector<1x1024xf32> to vector<128x1024xf32>
    %mul3A_200 = arith.mulf %mul3A_199, %transpose3A_32 : vector<128x1024xf32>
    %convert_element_type3A_201 = arith.truncf %mul3A_200 : vector<128x1024xf32> to vector<128x1024xbf16>
    %swap3A_202 = arith.constant 3072 : index
    %swap3A_203 = arith.constant 0 : index
    %swap3A_204 = vector.load %arg12[%swap3A_202, %swap3A_203] : memref<8192x1024xbf16, #tpu.memory_space<vmem>>, vector<128x1024xbf16>
    tpu.vector_store %arg12[%swap3A_202, %swap3A_203], %convert_element_type3A_201 {strides = array<i32>} : memref<8192x1024xbf16, #tpu.memory_space<vmem>>, vector<128x1024xbf16>,
    %slice3A_205 = vector.extract_strided_slice %transpose3A {offsets = [25, 0], sizes = [1, 1024], strides = [1, 1]} : vector<64x1024xf32> to vector<1x1024xf32>
    %mul3A_206 = vector.broadcast %slice3A_205 : vector<1x1024xf32> to vector<128x1024xf32>
    %mul3A_207 = arith.mulf %mul3A_206, %transpose3A_32 : vector<128x1024xf32>
    %convert_element_type3A_208 = arith.truncf %mul3A_207 : vector<128x1024xf32> to vector<128x1024xbf16>
    %swap3A_209 = arith.constant 3200 : index
    %swap3A_210 = arith.constant 0 : index
    %swap3A_211 = vector.load %arg12[%swap3A_209, %swap3A_210] : memref<8192x1024xbf16, #tpu.memory_space<vmem>>, vector<128x1024xbf16>
    tpu.vector_store %arg12[%swap3A_209, %swap3A_210], %convert_element_type3A_208 {strides = array<i32>} : memref<8192x1024xbf16, #tpu.memory_space<vmem>>, vector<128x1024xbf16>,
    %slice3A_212 = vector.extract_strided_slice %transpose3A {offsets = [26, 0], sizes = [1, 1024], strides = [1, 1]} : vector<64x1024xf32> to vector<1x1024xf32>
    %mul3A_213 = vector.broadcast %slice3A_212 : vector<1x1024xf32> to vector<128x1024xf32>
    %mul3A_214 = arith.mulf %mul3A_213, %transpose3A_32 : vector<128x1024xf32>
    %convert_element_type3A_215 = arith.truncf %mul3A_214 : vector<128x1024xf32> to vector<128x1024xbf16>
    %swap3A_216 = arith.constant 3328 : index
    %swap3A_217 = arith.constant 0 : index
    %swap3A_218 = vector.load %arg12[%swap3A_216, %swap3A_217] : memref<8192x1024xbf16, #tpu.memory_space<vmem>>, vector<128x1024xbf16>
    tpu.vector_store %arg12[%swap3A_216, %swap3A_217], %convert_element_type3A_215 {strides = array<i32>} : memref<8192x1024xbf16, #tpu.memory_space<vmem>>, vector<128x1024xbf16>,
    %slice3A_219 = vector.extract_strided_slice %transpose3A {offsets = [27, 0], sizes = [1, 1024], strides = [1, 1]} : vector<64x1024xf32> to vector<1x1024xf32>
    %mul3A_220 = vector.broadcast %slice3A_219 : vector<1x1024xf32> to vector<128x1024xf32>
    %mul3A_221 = arith.mulf %mul3A_220, %transpose3A_32 : vector<128x1024xf32>
    %convert_element_type3A_222 = arith.truncf %mul3A_221 : vector<128x1024xf32> to vector<128x1024xbf16>
    %swap3A_223 = arith.constant 3456 : index
    %swap3A_224 = arith.constant 0 : index
    %swap3A_225 = vector.load %arg12[%swap3A_223, %swap3A_224] : memref<8192x1024xbf16, #tpu.memory_space<vmem>>, vector<128x1024xbf16>
    tpu.vector_store %arg12[%swap3A_223, %swap3A_224], %convert_element_type3A_222 {strides = array<i32>} : memref<8192x1024xbf16, #tpu.memory_space<vmem>>, vector<128x1024xbf16>,
    %slice3A_226 = vector.extract_strided_slice %transpose3A {offsets = [28, 0], sizes = [1, 1024], strides = [1, 1]} : vector<64x1024xf32> to vector<1x1024xf32>
    %mul3A_227 = vector.broadcast %slice3A_226 : vector<1x1024xf32> to vector<128x1024xf32>
    %mul3A_228 = arith.mulf %mul3A_227, %transpose3A_32 : vector<128x1024xf32>
    %convert_element_type3A_229 = arith.truncf %mul3A_228 : vector<128x1024xf32> to vector<128x1024xbf16>
    %swap3A_230 = arith.constant 3584 : index
    %swap3A_231 = arith.constant 0 : index
    %swap3A_232 = vector.load %arg12[%swap3A_230, %swap3A_231] : memref<8192x1024xbf16, #tpu.memory_space<vmem>>, vector<128x1024xbf16>
    tpu.vector_store %arg12[%swap3A_230, %swap3A_231], %convert_element_type3A_229 {strides = array<i32>} : memref<8192x1024xbf16, #tpu.memory_space<vmem>>, vector<128x1024xbf16>,
    %slice3A_233 = vector.extract_strided_slice %transpose3A {offsets = [29, 0], sizes = [1, 1024], strides = [1, 1]} : vector<64x1024xf32> to vector<1x1024xf32>
    %mul3A_234 = vector.broadcast %slice3A_233 : vector<1x1024xf32> to vector<128x1024xf32>
    %mul3A_235 = arith.mulf %mul3A_234, %transpose3A_32 : vector<128x1024xf32>
    %convert_element_type3A_236 = arith.truncf %mul3A_235 : vector<128x1024xf32> to vector<128x1024xbf16>
    %swap3A_237 = arith.constant 3712 : index
    %swap3A_238 = arith.constant 0 : index
    %swap3A_239 = vector.load %arg12[%swap3A_237, %swap3A_238] : memref<8192x1024xbf16, #tpu.memory_space<vmem>>, vector<128x1024xbf16>
    tpu.vector_store %arg12[%swap3A_237, %swap3A_238], %convert_element_type3A_236 {strides = array<i32>} : memref<8192x1024xbf16, #tpu.memory_space<vmem>>, vector<128x1024xbf16>,
    %slice3A_240 = vector.extract_strided_slice %transpose3A {offsets = [30, 0], sizes = [1, 1024], strides = [1, 1]} : vector<64x1024xf32> to vector<1x1024xf32>
    %mul3A_241 = vector.broadcast %slice3A_240 : vector<1x1024xf32> to vector<128x1024xf32>
    %mul3A_242 = arith.mulf %mul3A_241, %transpose3A_32 : vector<128x1024xf32>
    %convert_element_type3A_243 = arith.truncf %mul3A_242 : vector<128x1024xf32> to vector<128x1024xbf16>
    %swap3A_244 = arith.constant 3840 : index
    %swap3A_245 = arith.constant 0 : index
    %swap3A_246 = vector.load %arg12[%swap3A_244, %swap3A_245] : memref<8192x1024xbf16, #tpu.memory_space<vmem>>, vector<128x1024xbf16>
    tpu.vector_store %arg12[%swap3A_244, %swap3A_245], %convert_element_type3A_243 {strides = array<i32>} : memref<8192x1024xbf16, #tpu.memory_space<vmem>>, vector<128x1024xbf16>,
    %slice3A_247 = vector.extract_strided_slice %transpose3A {offsets = [31, 0], sizes = [1, 1024], strides = [1, 1]} : vector<64x1024xf32> to vector<1x1024xf32>
    %mul3A_248 = vector.broadcast %slice3A_247 : vector<1x1024xf32> to vector<128x1024xf32>
    %mul3A_249 = arith.mulf %mul3A_248, %transpose3A_32 : vector<128x1024xf32>
    %convert_element_type3A_250 = arith.truncf %mul3A_249 : vector<128x1024xf32> to vector<128x1024xbf16>
    %swap3A_251 = arith.constant 3968 : index
    %swap3A_252 = arith.constant 0 : index
    %swap3A_253 = vector.load %arg12[%swap3A_251, %swap3A_252] : memref<8192x1024xbf16, #tpu.memory_space<vmem>>, vector<128x1024xbf16>
    tpu.vector_store %arg12[%swap3A_251, %swap3A_252], %convert_element_type3A_250 {strides = array<i32>} : memref<8192x1024xbf16, #tpu.memory_space<vmem>>, vector<128x1024xbf16>,
    %slice3A_254 = vector.extract_strided_slice %transpose3A {offsets = [32, 0], sizes = [1, 1024], strides = [1, 1]} : vector<64x1024xf32> to vector<1x1024xf32>
    %mul3A_255 = vector.broadcast %slice3A_254 : vector<1x1024xf32> to vector<128x1024xf32>
    %mul3A_256 = arith.mulf %mul3A_255, %transpose3A_32 : vector<128x1024xf32>
    %convert_element_type3A_257 = arith.truncf %mul3A_256 : vector<128x1024xf32> to vector<128x1024xbf16>
    %swap3A_258 = arith.constant 4096 : index
    %swap3A_259 = arith.constant 0 : index
    %swap3A_260 = vector.load %arg12[%swap3A_258, %swap3A_259] : memref<8192x1024xbf16, #tpu.memory_space<vmem>>, vector<128x1024xbf16>
    tpu.vector_store %arg12[%swap3A_258, %swap3A_259], %convert_element_type3A_257 {strides = array<i32>} : memref<8192x1024xbf16, #tpu.memory_space<vmem>>, vector<128x1024xbf16>,
    %slice3A_261 = vector.extract_strided_slice %transpose3A {offsets = [33, 0], sizes = [1, 1024], strides = [1, 1]} : vector<64x1024xf32> to vector<1x1024xf32>
    %mul3A_262 = vector.broadcast %slice3A_261 : vector<1x1024xf32> to vector<128x1024xf32>
    %mul3A_263 = arith.mulf %mul3A_262, %transpose3A_32 : vector<128x1024xf32>
    %convert_element_type3A_264 = arith.truncf %mul3A_263 : vector<128x1024xf32> to vector<128x1024xbf16>
    %swap3A_265 = arith.constant 4224 : index
    %swap3A_266 = arith.constant 0 : index
    %swap3A_267 = vector.load %arg12[%swap3A_265, %swap3A_266] : memref<8192x1024xbf16, #tpu.memory_space<vmem>>, vector<128x1024xbf16>
    tpu.vector_store %arg12[%swap3A_265, %swap3A_266], %convert_element_type3A_264 {strides = array<i32>} : memref<8192x1024xbf16, #tpu.memory_space<vmem>>, vector<128x1024xbf16>,
    %slice3A_268 = vector.extract_strided_slice %transpose3A {offsets = [34, 0], sizes = [1, 1024], strides = [1, 1]} : vector<64x1024xf32> to vector<1x1024xf32>
    %mul3A_269 = vector.broadcast %slice3A_268 : vector<1x1024xf32> to vector<128x1024xf32>
    %mul3A_270 = arith.mulf %mul3A_269, %transpose3A_32 : vector<128x1024xf32>
    %convert_element_type3A_271 = arith.truncf %mul3A_270 : vector<128x1024xf32> to vector<128x1024xbf16>
    %swap3A_272 = arith.constant 4352 : index
    %swap3A_273 = arith.constant 0 : index
    %swap3A_274 = vector.load %arg12[%swap3A_272, %swap3A_273] : memref<8192x1024xbf16, #tpu.memory_space<vmem>>, vector<128x1024xbf16>
    tpu.vector_store %arg12[%swap3A_272, %swap3A_273], %convert_element_type3A_271 {strides = array<i32>} : memref<8192x1024xbf16, #tpu.memory_space<vmem>>, vector<128x1024xbf16>,
    %slice3A_275 = vector.extract_strided_slice %transpose3A {offsets = [35, 0], sizes = [1, 1024], strides = [1, 1]} : vector<64x1024xf32> to vector<1x1024xf32>
    %mul3A_276 = vector.broadcast %slice3A_275 : vector<1x1024xf32> to vector<128x1024xf32>
    %mul3A_277 = arith.mulf %mul3A_276, %transpose3A_32 : vector<128x1024xf32>
    %convert_element_type3A_278 = arith.truncf %mul3A_277 : vector<128x1024xf32> to vector<128x1024xbf16>
    %swap3A_279 = arith.constant 4480 : index
    %swap3A_280 = arith.constant 0 : index
    %swap3A_281 = vector.load %arg12[%swap3A_279, %swap3A_280] : memref<8192x1024xbf16, #tpu.memory_space<vmem>>, vector<128x1024xbf16>
    tpu.vector_store %arg12[%swap3A_279, %swap3A_280], %convert_element_type3A_278 {strides = array<i32>} : memref<8192x1024xbf16, #tpu.memory_space<vmem>>, vector<128x1024xbf16>,
    %slice3A_282 = vector.extract_strided_slice %transpose3A {offsets = [36, 0], sizes = [1, 1024], strides = [1, 1]} : vector<64x1024xf32> to vector<1x1024xf32>
    %mul3A_283 = vector.broadcast %slice3A_282 : vector<1x1024xf32> to vector<128x1024xf32>
    %mul3A_284 = arith.mulf %mul3A_283, %transpose3A_32 : vector<128x1024xf32>
    %convert_element_type3A_285 = arith.truncf %mul3A_284 : vector<128x1024xf32> to vector<128x1024xbf16>
    %swap3A_286 = arith.constant 4608 : index
    %swap3A_287 = arith.constant 0 : index
    %swap3A_288 = vector.load %arg12[%swap3A_286, %swap3A_287] : memref<8192x1024xbf16, #tpu.memory_space<vmem>>, vector<128x1024xbf16>
    tpu.vector_store %arg12[%swap3A_286, %swap3A_287], %convert_element_type3A_285 {strides = array<i32>} : memref<8192x1024xbf16, #tpu.memory_space<vmem>>, vector<128x1024xbf16>,
    %slice3A_289 = vector.extract_strided_slice %transpose3A {offsets = [37, 0], sizes = [1, 1024], strides = [1, 1]} : vector<64x1024xf32> to vector<1x1024xf32>
    %mul3A_290 = vector.broadcast %slice3A_289 : vector<1x1024xf32> to vector<128x1024xf32>
    %mul3A_291 = arith.mulf %mul3A_290, %transpose3A_32 : vector<128x1024xf32>
    %convert_element_type3A_292 = arith.truncf %mul3A_291 : vector<128x1024xf32> to vector<128x1024xbf16>
    %swap3A_293 = arith.constant 4736 : index
    %swap3A_294 = arith.constant 0 : index
    %swap3A_295 = vector.load %arg12[%swap3A_293, %swap3A_294] : memref<8192x1024xbf16, #tpu.memory_space<vmem>>, vector<128x1024xbf16>
    tpu.vector_store %arg12[%swap3A_293, %swap3A_294], %convert_element_type3A_292 {strides = array<i32>} : memref<8192x1024xbf16, #tpu.memory_space<vmem>>, vector<128x1024xbf16>,
    %slice3A_296 = vector.extract_strided_slice %transpose3A {offsets = [38, 0], sizes = [1, 1024], strides = [1, 1]} : vector<64x1024xf32> to vector<1x1024xf32>
    %mul3A_297 = vector.broadcast %slice3A_296 : vector<1x1024xf32> to vector<128x1024xf32>
    %mul3A_298 = arith.mulf %mul3A_297, %transpose3A_32 : vector<128x1024xf32>
    %convert_element_type3A_299 = arith.truncf %mul3A_298 : vector<128x1024xf32> to vector<128x1024xbf16>
    %swap3A_300 = arith.constant 4864 : index
    %swap3A_301 = arith.constant 0 : index
    %swap3A_302 = vector.load %arg12[%swap3A_300, %swap3A_301] : memref<8192x1024xbf16, #tpu.memory_space<vmem>>, vector<128x1024xbf16>
    tpu.vector_store %arg12[%swap3A_300, %swap3A_301], %convert_element_type3A_299 {strides = array<i32>} : memref<8192x1024xbf16, #tpu.memory_space<vmem>>, vector<128x1024xbf16>,
    %slice3A_303 = vector.extract_strided_slice %transpose3A {offsets = [39, 0], sizes = [1, 1024], strides = [1, 1]} : vector<64x1024xf32> to vector<1x1024xf32>
    %mul3A_304 = vector.broadcast %slice3A_303 : vector<1x1024xf32> to vector<128x1024xf32>
    %mul3A_305 = arith.mulf %mul3A_304, %transpose3A_32 : vector<128x1024xf32>
    %convert_element_type3A_306 = arith.truncf %mul3A_305 : vector<128x1024xf32> to vector<128x1024xbf16>
    %swap3A_307 = arith.constant 4992 : index
    %swap3A_308 = arith.constant 0 : index
    %swap3A_309 = vector.load %arg12[%swap3A_307, %swap3A_308] : memref<8192x1024xbf16, #tpu.memory_space<vmem>>, vector<128x1024xbf16>
    tpu.vector_store %arg12[%swap3A_307, %swap3A_308], %convert_element_type3A_306 {strides = array<i32>} : memref<8192x1024xbf16, #tpu.memory_space<vmem>>, vector<128x1024xbf16>,
    %slice3A_310 = vector.extract_strided_slice %transpose3A {offsets = [40, 0], sizes = [1, 1024], strides = [1, 1]} : vector<64x1024xf32> to vector<1x1024xf32>
    %mul3A_311 = vector.broadcast %slice3A_310 : vector<1x1024xf32> to vector<128x1024xf32>
    %mul3A_312 = arith.mulf %mul3A_311, %transpose3A_32 : vector<128x1024xf32>
    %convert_element_type3A_313 = arith.truncf %mul3A_312 : vector<128x1024xf32> to vector<128x1024xbf16>
    %swap3A_314 = arith.constant 5120 : index
    %swap3A_315 = arith.constant 0 : index
    %swap3A_316 = vector.load %arg12[%swap3A_314, %swap3A_315] : memref<8192x1024xbf16, #tpu.memory_space<vmem>>, vector<128x1024xbf16>
    tpu.vector_store %arg12[%swap3A_314, %swap3A_315], %convert_element_type3A_313 {strides = array<i32>} : memref<8192x1024xbf16, #tpu.memory_space<vmem>>, vector<128x1024xbf16>,
    %slice3A_317 = vector.extract_strided_slice %transpose3A {offsets = [41, 0], sizes = [1, 1024], strides = [1, 1]} : vector<64x1024xf32> to vector<1x1024xf32>
    %mul3A_318 = vector.broadcast %slice3A_317 : vector<1x1024xf32> to vector<128x1024xf32>
    %mul3A_319 = arith.mulf %mul3A_318, %transpose3A_32 : vector<128x1024xf32>
    %convert_element_type3A_320 = arith.truncf %mul3A_319 : vector<128x1024xf32> to vector<128x1024xbf16>
    %swap3A_321 = arith.constant 5248 : index
    %swap3A_322 = arith.constant 0 : index
    %swap3A_323 = vector.load %arg12[%swap3A_321, %swap3A_322] : memref<8192x1024xbf16, #tpu.memory_space<vmem>>, vector<128x1024xbf16>
    tpu.vector_store %arg12[%swap3A_321, %swap3A_322], %convert_element_type3A_320 {strides = array<i32>} : memref<8192x1024xbf16, #tpu.memory_space<vmem>>, vector<128x1024xbf16>,
    %slice3A_324 = vector.extract_strided_slice %transpose3A {offsets = [42, 0], sizes = [1, 1024], strides = [1, 1]} : vector<64x1024xf32> to vector<1x1024xf32>
    %mul3A_325 = vector.broadcast %slice3A_324 : vector<1x1024xf32> to vector<128x1024xf32>
    %mul3A_326 = arith.mulf %mul3A_325, %transpose3A_32 : vector<128x1024xf32>
    %convert_element_type3A_327 = arith.truncf %mul3A_326 : vector<128x1024xf32> to vector<128x1024xbf16>
    %swap3A_328 = arith.constant 5376 : index
    %swap3A_329 = arith.constant 0 : index
    %swap3A_330 = vector.load %arg12[%swap3A_328, %swap3A_329] : memref<8192x1024xbf16, #tpu.memory_space<vmem>>, vector<128x1024xbf16>
    tpu.vector_store %arg12[%swap3A_328, %swap3A_329], %convert_element_type3A_327 {strides = array<i32>} : memref<8192x1024xbf16, #tpu.memory_space<vmem>>, vector<128x1024xbf16>,
    %slice3A_331 = vector.extract_strided_slice %transpose3A {offsets = [43, 0], sizes = [1, 1024], strides = [1, 1]} : vector<64x1024xf32> to vector<1x1024xf32>
    %mul3A_332 = vector.broadcast %slice3A_331 : vector<1x1024xf32> to vector<128x1024xf32>
    %mul3A_333 = arith.mulf %mul3A_332, %transpose3A_32 : vector<128x1024xf32>
    %convert_element_type3A_334 = arith.truncf %mul3A_333 : vector<128x1024xf32> to vector<128x1024xbf16>
    %swap3A_335 = arith.constant 5504 : index
    %swap3A_336 = arith.constant 0 : index
    %swap3A_337 = vector.load %arg12[%swap3A_335, %swap3A_336] : memref<8192x1024xbf16, #tpu.memory_space<vmem>>, vector<128x1024xbf16>
    tpu.vector_store %arg12[%swap3A_335, %swap3A_336], %convert_element_type3A_334 {strides = array<i32>} : memref<8192x1024xbf16, #tpu.memory_space<vmem>>, vector<128x1024xbf16>,
    %slice3A_338 = vector.extract_strided_slice %transpose3A {offsets = [44, 0], sizes = [1, 1024], strides = [1, 1]} : vector<64x1024xf32> to vector<1x1024xf32>
    %mul3A_339 = vector.broadcast %slice3A_338 : vector<1x1024xf32> to vector<128x1024xf32>
    %mul3A_340 = arith.mulf %mul3A_339, %transpose3A_32 : vector<128x1024xf32>
    %convert_element_type3A_341 = arith.truncf %mul3A_340 : vector<128x1024xf32> to vector<128x1024xbf16>
    %swap3A_342 = arith.constant 5632 : index
    %swap3A_343 = arith.constant 0 : index
    %swap3A_344 = vector.load %arg12[%swap3A_342, %swap3A_343] : memref<8192x1024xbf16, #tpu.memory_space<vmem>>, vector<128x1024xbf16>
    tpu.vector_store %arg12[%swap3A_342, %swap3A_343], %convert_element_type3A_341 {strides = array<i32>} : memref<8192x1024xbf16, #tpu.memory_space<vmem>>, vector<128x1024xbf16>,
    %slice3A_345 = vector.extract_strided_slice %transpose3A {offsets = [45, 0], sizes = [1, 1024], strides = [1, 1]} : vector<64x1024xf32> to vector<1x1024xf32>
    %mul3A_346 = vector.broadcast %slice3A_345 : vector<1x1024xf32> to vector<128x1024xf32>
    %mul3A_347 = arith.mulf %mul3A_346, %transpose3A_32 : vector<128x1024xf32>
    %convert_element_type3A_348 = arith.truncf %mul3A_347 : vector<128x1024xf32> to vector<128x1024xbf16>
    %swap3A_349 = arith.constant 5760 : index
    %swap3A_350 = arith.constant 0 : index
    %swap3A_351 = vector.load %arg12[%swap3A_349, %swap3A_350] : memref<8192x1024xbf16, #tpu.memory_space<vmem>>, vector<128x1024xbf16>
    tpu.vector_store %arg12[%swap3A_349, %swap3A_350], %convert_element_type3A_348 {strides = array<i32>} : memref<8192x1024xbf16, #tpu.memory_space<vmem>>, vector<128x1024xbf16>,
    %slice3A_352 = vector.extract_strided_slice %transpose3A {offsets = [46, 0], sizes = [1, 1024], strides = [1, 1]} : vector<64x1024xf32> to vector<1x1024xf32>
    %mul3A_353 = vector.broadcast %slice3A_352 : vector<1x1024xf32> to vector<128x1024xf32>
    %mul3A_354 = arith.mulf %mul3A_353, %transpose3A_32 : vector<128x1024xf32>
    %convert_element_type3A_355 = arith.truncf %mul3A_354 : vector<128x1024xf32> to vector<128x1024xbf16>
    %swap3A_356 = arith.constant 5888 : index
    %swap3A_357 = arith.constant 0 : index
    %swap3A_358 = vector.load %arg12[%swap3A_356, %swap3A_357] : memref<8192x1024xbf16, #tpu.memory_space<vmem>>, vector<128x1024xbf16>
    tpu.vector_store %arg12[%swap3A_356, %swap3A_357], %convert_element_type3A_355 {strides = array<i32>} : memref<8192x1024xbf16, #tpu.memory_space<vmem>>, vector<128x1024xbf16>,
    %slice3A_359 = vector.extract_strided_slice %transpose3A {offsets = [47, 0], sizes = [1, 1024], strides = [1, 1]} : vector<64x1024xf32> to vector<1x1024xf32>
    %mul3A_360 = vector.broadcast %slice3A_359 : vector<1x1024xf32> to vector<128x1024xf32>
    %mul3A_361 = arith.mulf %mul3A_360, %transpose3A_32 : vector<128x1024xf32>
    %convert_element_type3A_362 = arith.truncf %mul3A_361 : vector<128x1024xf32> to vector<128x1024xbf16>
    %swap3A_363 = arith.constant 6016 : index
    %swap3A_364 = arith.constant 0 : index
    %swap3A_365 = vector.load %arg12[%swap3A_363, %swap3A_364] : memref<8192x1024xbf16, #tpu.memory_space<vmem>>, vector<128x1024xbf16>
    tpu.vector_store %arg12[%swap3A_363, %swap3A_364], %convert_element_type3A_362 {strides = array<i32>} : memref<8192x1024xbf16, #tpu.memory_space<vmem>>, vector<128x1024xbf16>,
    %slice3A_366 = vector.extract_strided_slice %transpose3A {offsets = [48, 0], sizes = [1, 1024], strides = [1, 1]} : vector<64x1024xf32> to vector<1x1024xf32>
    %mul3A_367 = vector.broadcast %slice3A_366 : vector<1x1024xf32> to vector<128x1024xf32>
    %mul3A_368 = arith.mulf %mul3A_367, %transpose3A_32 : vector<128x1024xf32>
    %convert_element_type3A_369 = arith.truncf %mul3A_368 : vector<128x1024xf32> to vector<128x1024xbf16>
    %swap3A_370 = arith.constant 6144 : index
    %swap3A_371 = arith.constant 0 : index
    %swap3A_372 = vector.load %arg12[%swap3A_370, %swap3A_371] : memref<8192x1024xbf16, #tpu.memory_space<vmem>>, vector<128x1024xbf16>
    tpu.vector_store %arg12[%swap3A_370, %swap3A_371], %convert_element_type3A_369 {strides = array<i32>} : memref<8192x1024xbf16, #tpu.memory_space<vmem>>, vector<128x1024xbf16>,
    %slice3A_373 = vector.extract_strided_slice %transpose3A {offsets = [49, 0], sizes = [1, 1024], strides = [1, 1]} : vector<64x1024xf32> to vector<1x1024xf32>
    %mul3A_374 = vector.broadcast %slice3A_373 : vector<1x1024xf32> to vector<128x1024xf32>
    %mul3A_375 = arith.mulf %mul3A_374, %transpose3A_32 : vector<128x1024xf32>
    %convert_element_type3A_376 = arith.truncf %mul3A_375 : vector<128x1024xf32> to vector<128x1024xbf16>
    %swap3A_377 = arith.constant 6272 : index
    %swap3A_378 = arith.constant 0 : index
    %swap3A_379 = vector.load %arg12[%swap3A_377, %swap3A_378] : memref<8192x1024xbf16, #tpu.memory_space<vmem>>, vector<128x1024xbf16>
    tpu.vector_store %arg12[%swap3A_377, %swap3A_378], %convert_element_type3A_376 {strides = array<i32>} : memref<8192x1024xbf16, #tpu.memory_space<vmem>>, vector<128x1024xbf16>,
    %slice3A_380 = vector.extract_strided_slice %transpose3A {offsets = [50, 0], sizes = [1, 1024], strides = [1, 1]} : vector<64x1024xf32> to vector<1x1024xf32>
    %mul3A_381 = vector.broadcast %slice3A_380 : vector<1x1024xf32> to vector<128x1024xf32>
    %mul3A_382 = arith.mulf %mul3A_381, %transpose3A_32 : vector<128x1024xf32>
    %convert_element_type3A_383 = arith.truncf %mul3A_382 : vector<128x1024xf32> to vector<128x1024xbf16>
    %swap3A_384 = arith.constant 6400 : index
    %swap3A_385 = arith.constant 0 : index
    %swap3A_386 = vector.load %arg12[%swap3A_384, %swap3A_385] : memref<8192x1024xbf16, #tpu.memory_space<vmem>>, vector<128x1024xbf16>
    tpu.vector_store %arg12[%swap3A_384, %swap3A_385], %convert_element_type3A_383 {strides = array<i32>} : memref<8192x1024xbf16, #tpu.memory_space<vmem>>, vector<128x1024xbf16>,
    %slice3A_387 = vector.extract_strided_slice %transpose3A {offsets = [51, 0], sizes = [1, 1024], strides = [1, 1]} : vector<64x1024xf32> to vector<1x1024xf32>
    %mul3A_388 = vector.broadcast %slice3A_387 : vector<1x1024xf32> to vector<128x1024xf32>
    %mul3A_389 = arith.mulf %mul3A_388, %transpose3A_32 : vector<128x1024xf32>
    %convert_element_type3A_390 = arith.truncf %mul3A_389 : vector<128x1024xf32> to vector<128x1024xbf16>
    %swap3A_391 = arith.constant 6528 : index
    %swap3A_392 = arith.constant 0 : index
    %swap3A_393 = vector.load %arg12[%swap3A_391, %swap3A_392] : memref<8192x1024xbf16, #tpu.memory_space<vmem>>, vector<128x1024xbf16>
    tpu.vector_store %arg12[%swap3A_391, %swap3A_392], %convert_element_type3A_390 {strides = array<i32>} : memref<8192x1024xbf16, #tpu.memory_space<vmem>>, vector<128x1024xbf16>,
    %slice3A_394 = vector.extract_strided_slice %transpose3A {offsets = [52, 0], sizes = [1, 1024], strides = [1, 1]} : vector<64x1024xf32> to vector<1x1024xf32>
    %mul3A_395 = vector.broadcast %slice3A_394 : vector<1x1024xf32> to vector<128x1024xf32>
    %mul3A_396 = arith.mulf %mul3A_395, %transpose3A_32 : vector<128x1024xf32>
    %convert_element_type3A_397 = arith.truncf %mul3A_396 : vector<128x1024xf32> to vector<128x1024xbf16>
    %swap3A_398 = arith.constant 6656 : index
    %swap3A_399 = arith.constant 0 : index
    %swap3A_400 = vector.load %arg12[%swap3A_398, %swap3A_399] : memref<8192x1024xbf16, #tpu.memory_space<vmem>>, vector<128x1024xbf16>
    tpu.vector_store %arg12[%swap3A_398, %swap3A_399], %convert_element_type3A_397 {strides = array<i32>} : memref<8192x1024xbf16, #tpu.memory_space<vmem>>, vector<128x1024xbf16>,
    %slice3A_401 = vector.extract_strided_slice %transpose3A {offsets = [53, 0], sizes = [1, 1024], strides = [1, 1]} : vector<64x1024xf32> to vector<1x1024xf32>
    %mul3A_402 = vector.broadcast %slice3A_401 : vector<1x1024xf32> to vector<128x1024xf32>
    %mul3A_403 = arith.mulf %mul3A_402, %transpose3A_32 : vector<128x1024xf32>
    %convert_element_type3A_404 = arith.truncf %mul3A_403 : vector<128x1024xf32> to vector<128x1024xbf16>
    %swap3A_405 = arith.constant 6784 : index
    %swap3A_406 = arith.constant 0 : index
    %swap3A_407 = vector.load %arg12[%swap3A_405, %swap3A_406] : memref<8192x1024xbf16, #tpu.memory_space<vmem>>, vector<128x1024xbf16>
    tpu.vector_store %arg12[%swap3A_405, %swap3A_406], %convert_element_type3A_404 {strides = array<i32>} : memref<8192x1024xbf16, #tpu.memory_space<vmem>>, vector<128x1024xbf16>,
    %slice3A_408 = vector.extract_strided_slice %transpose3A {offsets = [54, 0], sizes = [1, 1024], strides = [1, 1]} : vector<64x1024xf32> to vector<1x1024xf32>
    %mul3A_409 = vector.broadcast %slice3A_408 : vector<1x1024xf32> to vector<128x1024xf32>
    %mul3A_410 = arith.mulf %mul3A_409, %transpose3A_32 : vector<128x1024xf32>
    %convert_element_type3A_411 = arith.truncf %mul3A_410 : vector<128x1024xf32> to vector<128x1024xbf16>
    %swap3A_412 = arith.constant 6912 : index
    %swap3A_413 = arith.constant 0 : index
    %swap3A_414 = vector.load %arg12[%swap3A_412, %swap3A_413] : memref<8192x1024xbf16, #tpu.memory_space<vmem>>, vector<128x1024xbf16>
    tpu.vector_store %arg12[%swap3A_412, %swap3A_413], %convert_element_type3A_411 {strides = array<i32>} : memref<8192x1024xbf16, #tpu.memory_space<vmem>>, vector<128x1024xbf16>,
    %slice3A_415 = vector.extract_strided_slice %transpose3A {offsets = [55, 0], sizes = [1, 1024], strides = [1, 1]} : vector<64x1024xf32> to vector<1x1024xf32>
    %mul3A_416 = vector.broadcast %slice3A_415 : vector<1x1024xf32> to vector<128x1024xf32>
    %mul3A_417 = arith.mulf %mul3A_416, %transpose3A_32 : vector<128x1024xf32>
    %convert_element_type3A_418 = arith.truncf %mul3A_417 : vector<128x1024xf32> to vector<128x1024xbf16>
    %swap3A_419 = arith.constant 7040 : index
    %swap3A_420 = arith.constant 0 : index
    %swap3A_421 = vector.load %arg12[%swap3A_419, %swap3A_420] : memref<8192x1024xbf16, #tpu.memory_space<vmem>>, vector<128x1024xbf16>
    tpu.vector_store %arg12[%swap3A_419, %swap3A_420], %convert_element_type3A_418 {strides = array<i32>} : memref<8192x1024xbf16, #tpu.memory_space<vmem>>, vector<128x1024xbf16>,
    %slice3A_422 = vector.extract_strided_slice %transpose3A {offsets = [56, 0], sizes = [1, 1024], strides = [1, 1]} : vector<64x1024xf32> to vector<1x1024xf32>
    %mul3A_423 = vector.broadcast %slice3A_422 : vector<1x1024xf32> to vector<128x1024xf32>
    %mul3A_424 = arith.mulf %mul3A_423, %transpose3A_32 : vector<128x1024xf32>
    %convert_element_type3A_425 = arith.truncf %mul3A_424 : vector<128x1024xf32> to vector<128x1024xbf16>
    %swap3A_426 = arith.constant 7168 : index
    %swap3A_427 = arith.constant 0 : index
    %swap3A_428 = vector.load %arg12[%swap3A_426, %swap3A_427] : memref<8192x1024xbf16, #tpu.memory_space<vmem>>, vector<128x1024xbf16>
    tpu.vector_store %arg12[%swap3A_426, %swap3A_427], %convert_element_type3A_425 {strides = array<i32>} : memref<8192x1024xbf16, #tpu.memory_space<vmem>>, vector<128x1024xbf16>,
    %slice3A_429 = vector.extract_strided_slice %transpose3A {offsets = [57, 0], sizes = [1, 1024], strides = [1, 1]} : vector<64x1024xf32> to vector<1x1024xf32>
    %mul3A_430 = vector.broadcast %slice3A_429 : vector<1x1024xf32> to vector<128x1024xf32>
    %mul3A_431 = arith.mulf %mul3A_430, %transpose3A_32 : vector<128x1024xf32>
    %convert_element_type3A_432 = arith.truncf %mul3A_431 : vector<128x1024xf32> to vector<128x1024xbf16>
    %swap3A_433 = arith.constant 7296 : index
    %swap3A_434 = arith.constant 0 : index
    %swap3A_435 = vector.load %arg12[%swap3A_433, %swap3A_434] : memref<8192x1024xbf16, #tpu.memory_space<vmem>>, vector<128x1024xbf16>
    tpu.vector_store %arg12[%swap3A_433, %swap3A_434], %convert_element_type3A_432 {strides = array<i32>} : memref<8192x1024xbf16, #tpu.memory_space<vmem>>, vector<128x1024xbf16>,
    %slice3A_436 = vector.extract_strided_slice %transpose3A {offsets = [58, 0], sizes = [1, 1024], strides = [1, 1]} : vector<64x1024xf32> to vector<1x1024xf32>
    %mul3A_437 = vector.broadcast %slice3A_436 : vector<1x1024xf32> to vector<128x1024xf32>
    %mul3A_438 = arith.mulf %mul3A_437, %transpose3A_32 : vector<128x1024xf32>
    %convert_element_type3A_439 = arith.truncf %mul3A_438 : vector<128x1024xf32> to vector<128x1024xbf16>
    %swap3A_440 = arith.constant 7424 : index
    %swap3A_441 = arith.constant 0 : index
    %swap3A_442 = vector.load %arg12[%swap3A_440, %swap3A_441] : memref<8192x1024xbf16, #tpu.memory_space<vmem>>, vector<128x1024xbf16>
    tpu.vector_store %arg12[%swap3A_440, %swap3A_441], %convert_element_type3A_439 {strides = array<i32>} : memref<8192x1024xbf16, #tpu.memory_space<vmem>>, vector<128x1024xbf16>,
    %slice3A_443 = vector.extract_strided_slice %transpose3A {offsets = [59, 0], sizes = [1, 1024], strides = [1, 1]} : vector<64x1024xf32> to vector<1x1024xf32>
    %mul3A_444 = vector.broadcast %slice3A_443 : vector<1x1024xf32> to vector<128x1024xf32>
    %mul3A_445 = arith.mulf %mul3A_444, %transpose3A_32 : vector<128x1024xf32>
    %convert_element_type3A_446 = arith.truncf %mul3A_445 : vector<128x1024xf32> to vector<128x1024xbf16>
    %swap3A_447 = arith.constant 7552 : index
    %swap3A_448 = arith.constant 0 : index
    %swap3A_449 = vector.load %arg12[%swap3A_447, %swap3A_448] : memref<8192x1024xbf16, #tpu.memory_space<vmem>>, vector<128x1024xbf16>
    tpu.vector_store %arg12[%swap3A_447, %swap3A_448], %convert_element_type3A_446 {strides = array<i32>} : memref<8192x1024xbf16, #tpu.memory_space<vmem>>, vector<128x1024xbf16>,
    %slice3A_450 = vector.extract_strided_slice %transpose3A {offsets = [60, 0], sizes = [1, 1024], strides = [1, 1]} : vector<64x1024xf32> to vector<1x1024xf32>
    %mul3A_451 = vector.broadcast %slice3A_450 : vector<1x1024xf32> to vector<128x1024xf32>
    %mul3A_452 = arith.mulf %mul3A_451, %transpose3A_32 : vector<128x1024xf32>
    %convert_element_type3A_453 = arith.truncf %mul3A_452 : vector<128x1024xf32> to vector<128x1024xbf16>
    %swap3A_454 = arith.constant 7680 : index
    %swap3A_455 = arith.constant 0 : index
    %swap3A_456 = vector.load %arg12[%swap3A_454, %swap3A_455] : memref<8192x1024xbf16, #tpu.memory_space<vmem>>, vector<128x1024xbf16>
    tpu.vector_store %arg12[%swap3A_454, %swap3A_455], %convert_element_type3A_453 {strides = array<i32>} : memref<8192x1024xbf16, #tpu.memory_space<vmem>>, vector<128x1024xbf16>,
    %slice3A_457 = vector.extract_strided_slice %transpose3A {offsets = [61, 0], sizes = [1, 1024], strides = [1, 1]} : vector<64x1024xf32> to vector<1x1024xf32>
    %mul3A_458 = vector.broadcast %slice3A_457 : vector<1x1024xf32> to vector<128x1024xf32>
    %mul3A_459 = arith.mulf %mul3A_458, %transpose3A_32 : vector<128x1024xf32>
    %convert_element_type3A_460 = arith.truncf %mul3A_459 : vector<128x1024xf32> to vector<128x1024xbf16>
    %swap3A_461 = arith.constant 7808 : index
    %swap3A_462 = arith.constant 0 : index
    %swap3A_463 = vector.load %arg12[%swap3A_461, %swap3A_462] : memref<8192x1024xbf16, #tpu.memory_space<vmem>>, vector<128x1024xbf16>
    tpu.vector_store %arg12[%swap3A_461, %swap3A_462], %convert_element_type3A_460 {strides = array<i32>} : memref<8192x1024xbf16, #tpu.memory_space<vmem>>, vector<128x1024xbf16>,
    %slice3A_464 = vector.extract_strided_slice %transpose3A {offsets = [62, 0], sizes = [1, 1024], strides = [1, 1]} : vector<64x1024xf32> to vector<1x1024xf32>
    %mul3A_465 = vector.broadcast %slice3A_464 : vector<1x1024xf32> to vector<128x1024xf32>
    %mul3A_466 = arith.mulf %mul3A_465, %transpose3A_32 : vector<128x1024xf32>
    %convert_element_type3A_467 = arith.truncf %mul3A_466 : vector<128x1024xf32> to vector<128x1024xbf16>
    %swap3A_468 = arith.constant 7936 : index
    %swap3A_469 = arith.constant 0 : index
    %swap3A_470 = vector.load %arg12[%swap3A_468, %swap3A_469] : memref<8192x1024xbf16, #tpu.memory_space<vmem>>, vector<128x1024xbf16>
    tpu.vector_store %arg12[%swap3A_468, %swap3A_469], %convert_element_type3A_467 {strides = array<i32>} : memref<8192x1024xbf16, #tpu.memory_space<vmem>>, vector<128x1024xbf16>,
    %slice3A_471 = vector.extract_strided_slice %transpose3A {offsets = [63, 0], sizes = [1, 1024], strides = [1, 1]} : vector<64x1024xf32> to vector<1x1024xf32>
    %mul3A_472 = vector.broadcast %slice3A_471 : vector<1x1024xf32> to vector<128x1024xf32>
    %mul3A_473 = arith.mulf %mul3A_472, %transpose3A_32 : vector<128x1024xf32>
    %convert_element_type3A_474 = arith.truncf %mul3A_473 : vector<128x1024xf32> to vector<128x1024xbf16>
    %swap3A_475 = arith.constant 8064 : index
    %swap3A_476 = arith.constant 0 : index
    %swap3A_477 = vector.load %arg12[%swap3A_475, %swap3A_476] : memref<8192x1024xbf16, #tpu.memory_space<vmem>>, vector<128x1024xbf16>
    tpu.vector_store %arg12[%swap3A_475, %swap3A_476], %convert_element_type3A_474 {strides = array<i32>} : memref<8192x1024xbf16, #tpu.memory_space<vmem>>, vector<128x1024xbf16>,
    %get3A_478 = arith.constant 0 : index
    %get3A_479 = arith.constant 0 : index
    %get3A_480 = vector.load %arg9[%get3A_478, %get3A_479] : memref<128x8192xbf16, #tpu.memory_space<vmem>>, vector<128x8192xbf16>
    %get3A_481 = arith.constant 0 : index
    %get3A_482 = arith.constant 0 : index
    %get3A_483 = vector.load %arg12[%get3A_481, %get3A_482] : memref<8192x1024xbf16, #tpu.memory_space<vmem>>, vector<8192x1024xbf16>
    %dot_general3A_484 = arith.constant dense<0.000000e+00> : vector<128x1024xf32>
    %dot_general3A_485 = tpu.matmul %get3A_480, %get3A_483, %dot_general3A_484 {dimension_numbers = #tpu.dot_dimension_numbers<[1], [0], [0], [1], [0, 0, 1, 1], [], []>, transpose_lhs_hint = false} : vector<128x8192xbf16>, vector<8192x1024xbf16>, vector<128x1024xf32> -> vector<128x1024xf32>
    %slice3A_486 = vector.extract_strided_slice %transpose3A_32 {offsets = [64, 0], sizes = [64, 1024], strides = [1, 1]} : vector<128x1024xf32> to vector<64x1024xf32>
    %slice3A_487 = vector.extract_strided_slice %transpose3A_32 {offsets = [0, 0], sizes = [64, 1024], strides = [1, 1]} : vector<128x1024xf32> to vector<64x1024xf32>
    %concatenate3A_488 = tpu.concatenate %slice3A_486, %slice3A_487 in 0 : vector<64x1024xf32>, vector<64x1024xf32> -> vector<128x1024xf32>
    %get3A_489 = arith.constant 0 : index
    %get3A_490 = arith.constant 0 : index
    %get3A_491 = vector.load %arg10[%get3A_489, %get3A_490] : memref<64x128xf32, #tpu.memory_space<vmem>>, vector<64x128xf32>
    %dot_general3A_492 = arith.constant dense<0.000000e+00> : vector<64x1024xf32>
    %dot_general3A_493 = tpu.matmul %get3A_491, %transpose3A_32, %dot_general3A_492 {dimension_numbers = #tpu.dot_dimension_numbers<[1], [0], [0], [1], [0, 0, 1, 1], [], []>, transpose_lhs_hint = false} : vector<64x128xf32>, vector<128x1024xf32>, vector<64x1024xf32> -> vector<64x1024xf32>
    %dot_general3A_494 = arith.constant dense<0.000000e+00> : vector<64x1024xf32>
    %dot_general3A_495 = tpu.matmul %get3A_491, %concatenate3A_488, %dot_general3A_494 {dimension_numbers = #tpu.dot_dimension_numbers<[1], [0], [0], [1], [0, 0, 1, 1], [], []>, transpose_lhs_hint = false} : vector<64x128xf32>, vector<128x1024xf32>, vector<64x1024xf32> -> vector<64x1024xf32>
    %slice3A_496 = vector.extract_strided_slice %dot_general3A_485 {offsets = [0, 0], sizes = [64, 1024], strides = [1, 1]} : vector<128x1024xf32> to vector<64x1024xf32>
    %add3A_497 = arith.addf %slice3A_496, %dot_general3A_493 : vector<64x1024xf32>
    %transpose3A_498 = tpu.transpose %add3A_497, [1, 0] : vector<64x1024xf32> -> vector<1024x64xf32>
    %swap3A_499 = arith.constant 0 : index
    %swap3A_500 = arith.constant 0 : index
    %swap3A_501 = arith.constant 0 : index
    %swap3A_502 = vector.load %arg11[%swap3A_499, %swap3A_500, %swap3A_501] : memref<2x1024x64xf32, #tpu.memory_space<vmem>>, vector<1x1024x64xf32>
    %swap3A_503 = vector.shape_cast %swap3A_502 : vector<1x1024x64xf32> to vector<1024x64xf32>
    %swap3A_504 = vector.shape_cast %transpose3A_498 : vector<1024x64xf32> to vector<1x1024x64xf32>
    tpu.vector_store %arg11[%swap3A_499, %swap3A_500, %swap3A_501], %swap3A_504 {strides = array<i32>} : memref<2x1024x64xf32, #tpu.memory_space<vmem>>, vector<1x1024x64xf32>,
    %slice3A_505 = vector.extract_strided_slice %dot_general3A_485 {offsets = [64, 0], sizes = [64, 1024], strides = [1, 1]} : vector<128x1024xf32> to vector<64x1024xf32>
    %add3A_506 = arith.addf %slice3A_505, %dot_general3A_495 : vector<64x1024xf32>
    %transpose3A_507 = tpu.transpose %add3A_506, [1, 0] : vector<64x1024xf32> -> vector<1024x64xf32>
    %swap3A_508 = arith.constant 1 : index
    %swap3A_509 = arith.constant 0 : index
    %swap3A_510 = arith.constant 0 : index
    %swap3A_511 = vector.load %arg11[%swap3A_508, %swap3A_509, %swap3A_510] : memref<2x1024x64xf32, #tpu.memory_space<vmem>>, vector<1x1024x64xf32>
    %swap3A_512 = vector.shape_cast %swap3A_511 : vector<1x1024x64xf32> to vector<1024x64xf32>
    %swap3A_513 = vector.shape_cast %transpose3A_507 : vector<1024x64xf32> to vector<1x1024x64xf32>
    tpu.vector_store %arg11[%swap3A_508, %swap3A_509, %swap3A_510], %swap3A_513 {strides = array<i32>} : memref<2x1024x64xf32, #tpu.memory_space<vmem>>, vector<1x1024x64xf32>,
    return
  }
  func.func @transform_0(%arg0: i32) -> (i32, i32) {
    %c0_i32 = arith.constant 0 : i32
    %c0_i32_0 = arith.constant 0 : i32
    return %arg0, %c0_i32 : i32, i32
  }
  func.func @transform_1(%arg0: i32) -> (i32, i32) {
    %c0_i32 = arith.constant 0 : i32
    %c0_i32_0 = arith.constant 0 : i32
    return %arg0, %c0_i32 : i32, i32
  }
  func.func @transform_2(%arg0: i32) -> (i32, i32) {
    %c0_i32 = arith.constant 0 : i32
    %c0_i32_0 = arith.constant 0 : i32
    return %arg0, %c0_i32 : i32, i32
  }
  func.func @transform_3(%arg0: i32) -> (i32, i32) {
    %c0_i32 = arith.constant 0 : i32
    %c0_i32_0 = arith.constant 0 : i32
    return %arg0, %c0_i32 : i32, i32
  }
  func.func @transform_4(%arg0: i32) -> (i32, i32) {
    %c0_i32 = arith.constant 0 : i32
    %c0_i32_0 = arith.constant 0 : i32
    %c0_i32_1 = arith.constant 0 : i32
    return %c0_i32, %c0_i32_0 : i32, i32
  }
  func.func @transform_5(%arg0: i32) -> (i32, i32) {
    %c0_i32 = arith.constant 0 : i32
    %c0_i32_0 = arith.constant 0 : i32
    %c0_i32_1 = arith.constant 0 : i32
    return %c0_i32, %c0_i32_0 : i32, i32
  }
  func.func @transform_6(%arg0: i32) -> (i32, i32) {
    %c0_i32 = arith.constant 0 : i32
    %c0_i32_0 = arith.constant 0 : i32
    %c0_i32_1 = arith.constant 0 : i32
    return %c0_i32, %c0_i32_0 : i32, i32
  }
  func.func @transform_7(%arg0: i32) -> (i32, i32) {
    %c0_i32 = arith.constant 0 : i32
    %c0_i32_0 = arith.constant 0 : i32
    %c0_i32_1 = arith.constant 0 : i32
    return %c0_i32, %c0_i32_0 : i32, i32
  }
  func.func @transform_8(%arg0: i32) -> (i32, i32) {
    %c0_i32 = arith.constant 0 : i32
    %c0_i32_0 = arith.constant 0 : i32
    %c0_i32_1 = arith.constant 0 : i32
    return %c0_i32, %c0_i32_0 : i32, i32
  }
  func.func @transform_9(%arg0: i32) -> (i32, i32) {
    %c0_i32 = arith.constant 0 : i32
    %c0_i32_0 = arith.constant 0 : i32
    %c0_i32_1 = arith.constant 0 : i32
    return %c0_i32, %c0_i32_0 : i32, i32
  }
  func.func @transform_10(%arg0: i32) -> (i32, i32, i32) {
    %c0_i32 = arith.constant 0 : i32
    %c0_i32_0 = arith.constant 0 : i32
    %c0_i32_1 = arith.constant 0 : i32
    return %c0_i32, %arg0, %c0_i32_0 : i32, i32, i32
  }
}

module attributes {stable_mosaic.version = 14 : i64} {
  func.func @_tc_readout_body(%arg0: i32, %arg1: memref<1024x64xf32, #tpu.memory_space<vmem>>, %arg2: memref<1024x64xf32, #tpu.memory_space<vmem>>, %arg3: memref<1024x64xf32, #tpu.memory_space<vmem>>, %arg4: memref<1024x64xf32, #tpu.memory_space<vmem>>, %arg5: memref<1024x64xf32, #tpu.memory_space<vmem>>, %arg6: memref<1024x64xf32, #tpu.memory_space<vmem>>, %arg7: memref<1024x32xf32, #tpu.memory_space<vmem>>, %arg8: memref<1024x32xf32, #tpu.memory_space<vmem>>, %arg9: memref<1024x64xf32, #tpu.memory_space<vmem>>, %arg10: memref<1024x64xf32, #tpu.memory_space<vmem>>, %arg11: memref<1024x16xf32, #tpu.memory_space<vmem>>, %arg12: memref<64x192xf32, #tpu.memory_space<vmem>>, %arg13: memref<64x192xf32, #tpu.memory_space<vmem>>, %arg14: memref<1x192xf32, #tpu.memory_space<vmem>>, %arg15: memref<1x192xf32, #tpu.memory_space<vmem>>, %arg16: memref<224x256xbf16, #tpu.memory_space<vmem>>, %arg17: memref<1x256xf32, #tpu.memory_space<vmem>>, %arg18: memref<256x256xbf16, #tpu.memory_space<vmem>>, %arg19: memref<1x256xf32, #tpu.memory_space<vmem>>, %arg20: memref<256x1xf32, #tpu.memory_space<vmem>>, %arg21: memref<256x1xf32, #tpu.memory_space<vmem>>, %arg22: memref<16x1xf32, #tpu.memory_space<vmem>>, %arg23: memref<1x1xf32, #tpu.memory_space<vmem>>, %arg24: memref<1024x1xf32, #tpu.memory_space<vmem>>) attributes {dimension_semantics = [#tpu.dimension_semantics<arbitrary>], iteration_bounds = array<i64: 2>, scalar_prefetch = 0 : i64, scratch_operands = 0 : i64, tpu.core_type = #tpu.core_type<tc>, window_params = [{transform_indices = @transform_0, window_bounds = array<i64: 1024, 64>}, {transform_indices = @transform_1, window_bounds = array<i64: 1024, 64>}, {transform_indices = @transform_2, window_bounds = array<i64: 1024, 64>}, {transform_indices = @transform_3, window_bounds = array<i64: 1024, 64>}, {transform_indices = @transform_4, window_bounds = array<i64: 1024, 64>}, {transform_indices = @transform_5, window_bounds = array<i64: 1024, 64>}, {transform_indices = @transform_6, window_bounds = array<i64: 1024, 32>}, {transform_indices = @transform_7, window_bounds = array<i64: 1024, 32>}, {transform_indices = @transform_8, window_bounds = array<i64: 1024, 64>}, {transform_indices = @transform_9, window_bounds = array<i64: 1024, 64>}, {transform_indices = @transform_10, window_bounds = array<i64: 1024, 16>}, {pipeline_mode = #tpu.pipeline_mode<synchronous>, transform_indices = @transform_11, window_bounds = array<i64: 64, 192>}, {pipeline_mode = #tpu.pipeline_mode<synchronous>, transform_indices = @transform_12, window_bounds = array<i64: 64, 192>}, {pipeline_mode = #tpu.pipeline_mode<synchronous>, transform_indices = @transform_13, window_bounds = array<i64: 1, 192>}, {pipeline_mode = #tpu.pipeline_mode<synchronous>, transform_indices = @transform_14, window_bounds = array<i64: 1, 192>}, {pipeline_mode = #tpu.pipeline_mode<synchronous>, transform_indices = @transform_15, window_bounds = array<i64: 224, 256>}, {pipeline_mode = #tpu.pipeline_mode<synchronous>, transform_indices = @transform_16, window_bounds = array<i64: 1, 256>}, {pipeline_mode = #tpu.pipeline_mode<synchronous>, transform_indices = @transform_17, window_bounds = array<i64: 256, 256>}, {pipeline_mode = #tpu.pipeline_mode<synchronous>, transform_indices = @transform_18, window_bounds = array<i64: 1, 256>}, {pipeline_mode = #tpu.pipeline_mode<synchronous>, transform_indices = @transform_19, window_bounds = array<i64: 256, 1>}, {pipeline_mode = #tpu.pipeline_mode<synchronous>, transform_indices = @transform_20, window_bounds = array<i64: 256, 1>}, {pipeline_mode = #tpu.pipeline_mode<synchronous>, transform_indices = @transform_21, window_bounds = array<i64: 16, 1>}, {pipeline_mode = #tpu.pipeline_mode<synchronous>, transform_indices = @transform_22, window_bounds = array<i64: 1, 1>}, {transform_indices = @transform_23, window_bounds = array<i64: 1024, 1>}]} {
    %get3A = arith.constant 0 : index
    %get3A_0 = arith.constant 0 : index
    %get3A_1 = vector.load %arg1[%get3A, %get3A_0] : memref<1024x64xf32, #tpu.memory_space<vmem>>, vector<1024x64xf32>
    %get3A_2 = arith.constant 0 : index
    %get3A_3 = arith.constant 0 : index
    %get3A_4 = vector.load %arg2[%get3A_2, %get3A_3] : memref<1024x64xf32, #tpu.memory_space<vmem>>, vector<1024x64xf32>
    %concatenate3A = tpu.concatenate %get3A_1, %get3A_4 in 0 : vector<1024x64xf32>, vector<1024x64xf32> -> vector<2048x64xf32>
    %get3A_5 = arith.constant 0 : index
    %get3A_6 = arith.constant 0 : index
    %get3A_7 = vector.load %arg3[%get3A_5, %get3A_6] : memref<1024x64xf32, #tpu.memory_space<vmem>>, vector<1024x64xf32>
    %get3A_8 = arith.constant 0 : index
    %get3A_9 = arith.constant 0 : index
    %get3A_10 = vector.load %arg4[%get3A_8, %get3A_9] : memref<1024x64xf32, #tpu.memory_space<vmem>>, vector<1024x64xf32>
    %concatenate3A_11 = tpu.concatenate %get3A_7, %get3A_10 in 0 : vector<1024x64xf32>, vector<1024x64xf32> -> vector<2048x64xf32>
    %get3A_12 = arith.constant 0 : index
    %get3A_13 = arith.constant 0 : index
    %get3A_14 = vector.load %arg12[%get3A_12, %get3A_13] : memref<64x192xf32, #tpu.memory_space<vmem>>, vector<64x192xf32>
    %dot_general3A = arith.constant dense<0.000000e+00> : vector<2048x192xf32>
    %dot_general3A_15 = tpu.matmul %concatenate3A, %get3A_14, %dot_general3A {dimension_numbers = #tpu.dot_dimension_numbers<[1], [0], [0], [1], [0, 0, 1, 1], [], []>, transpose_lhs_hint = false} : vector<2048x64xf32>, vector<64x192xf32>, vector<2048x192xf32> -> vector<2048x192xf32>
    %get3A_16 = arith.constant 0 : index
    %get3A_17 = arith.constant 0 : index
    %get3A_18 = vector.load %arg14[%get3A_16, %get3A_17] : memref<1x192xf32, #tpu.memory_space<vmem>>, vector<1x192xf32>
    %add3A = vector.broadcast %get3A_18 : vector<1x192xf32> to vector<2048x192xf32>
    %add3A_19 = arith.addf %dot_general3A_15, %add3A : vector<2048x192xf32>
    %get3A_20 = arith.constant 0 : index
    %get3A_21 = arith.constant 0 : index
    %get3A_22 = vector.load %arg13[%get3A_20, %get3A_21] : memref<64x192xf32, #tpu.memory_space<vmem>>, vector<64x192xf32>
    %dot_general3A_23 = arith.constant dense<0.000000e+00> : vector<2048x192xf32>
    %dot_general3A_24 = tpu.matmul %concatenate3A_11, %get3A_22, %dot_general3A_23 {dimension_numbers = #tpu.dot_dimension_numbers<[1], [0], [0], [1], [0, 0, 1, 1], [], []>, transpose_lhs_hint = false} : vector<2048x64xf32>, vector<64x192xf32>, vector<2048x192xf32> -> vector<2048x192xf32>
    %get3A_25 = arith.constant 0 : index
    %get3A_26 = arith.constant 0 : index
    %get3A_27 = vector.load %arg15[%get3A_25, %get3A_26] : memref<1x192xf32, #tpu.memory_space<vmem>>, vector<1x192xf32>
    %add3A_28 = vector.broadcast %get3A_27 : vector<1x192xf32> to vector<2048x192xf32>
    %add3A_29 = arith.addf %dot_general3A_24, %add3A_28 : vector<2048x192xf32>
    %slice3A = vector.extract_strided_slice %add3A_19 {offsets = [0, 0], sizes = [2048, 64], strides = [1, 1]} : vector<2048x192xf32> to vector<2048x64xf32>
    %slice3A_30 = vector.extract_strided_slice %add3A_29 {offsets = [0, 0], sizes = [2048, 64], strides = [1, 1]} : vector<2048x192xf32> to vector<2048x64xf32>
    %add3A_31 = arith.addf %slice3A, %slice3A_30 : vector<2048x64xf32>
    %logistic3A = arith.negf %add3A_31 : vector<2048x64xf32>
    %logistic3A_32 = math.exp %logistic3A : vector<2048x64xf32>
    %logistic3A_33 = arith.constant 1.000000e+00 : f32
    %logistic3A_34 = vector.broadcast %logistic3A_33 : f32 to vector<2048x64xf32>
    %logistic3A_35 = arith.addf %logistic3A_34, %logistic3A_32 : vector<2048x64xf32>
    %logistic3A_36 = arith.divf %logistic3A_34, %logistic3A_35 : vector<2048x64xf32>
    %slice3A_37 = vector.extract_strided_slice %add3A_19 {offsets = [0, 64], sizes = [2048, 64], strides = [1, 1]} : vector<2048x192xf32> to vector<2048x64xf32>
    %slice3A_38 = vector.extract_strided_slice %add3A_29 {offsets = [0, 64], sizes = [2048, 64], strides = [1, 1]} : vector<2048x192xf32> to vector<2048x64xf32>
    %add3A_39 = arith.addf %slice3A_37, %slice3A_38 : vector<2048x64xf32>
    %logistic3A_40 = arith.negf %add3A_39 : vector<2048x64xf32>
    %logistic3A_41 = math.exp %logistic3A_40 : vector<2048x64xf32>
    %logistic3A_42 = arith.constant 1.000000e+00 : f32
    %logistic3A_43 = vector.broadcast %logistic3A_42 : f32 to vector<2048x64xf32>
    %logistic3A_44 = arith.addf %logistic3A_43, %logistic3A_41 : vector<2048x64xf32>
    %logistic3A_45 = arith.divf %logistic3A_43, %logistic3A_44 : vector<2048x64xf32>
    %slice3A_46 = vector.extract_strided_slice %add3A_19 {offsets = [0, 128], sizes = [2048, 64], strides = [1, 1]} : vector<2048x192xf32> to vector<2048x64xf32>
    %slice3A_47 = vector.extract_strided_slice %add3A_29 {offsets = [0, 128], sizes = [2048, 64], strides = [1, 1]} : vector<2048x192xf32> to vector<2048x64xf32>
    %mul3A = arith.mulf %logistic3A_36, %slice3A_47 : vector<2048x64xf32>
    %add3A_48 = arith.addf %slice3A_46, %mul3A : vector<2048x64xf32>
    %tanh3A = math.tanh %add3A_48 : vector<2048x64xf32>
    %sub3A = arith.constant 1.000000e+00 : f32
    %sub3A_49 = vector.broadcast %sub3A : f32 to vector<2048x64xf32>
    %sub3A_50 = arith.subf %sub3A_49, %logistic3A_45 : vector<2048x64xf32>
    %mul3A_51 = arith.mulf %sub3A_50, %tanh3A : vector<2048x64xf32>
    %mul3A_52 = arith.mulf %logistic3A_45, %concatenate3A_11 : vector<2048x64xf32>
    %add3A_53 = arith.addf %mul3A_51, %mul3A_52 : vector<2048x64xf32>
    %get3A_54 = arith.constant 0 : index
    %get3A_55 = arith.constant 0 : index
    %get3A_56 = vector.load %arg5[%get3A_54, %get3A_55] : memref<1024x64xf32, #tpu.memory_space<vmem>>, vector<1024x64xf32>
    %get3A_57 = arith.constant 0 : index
    %get3A_58 = arith.constant 0 : index
    %get3A_59 = vector.load %arg6[%get3A_57, %get3A_58] : memref<1024x64xf32, #tpu.memory_space<vmem>>, vector<1024x64xf32>
    %concatenate3A_60 = tpu.concatenate %get3A_56, %get3A_59 in 0 : vector<1024x64xf32>, vector<1024x64xf32> -> vector<2048x64xf32>
    %get3A_61 = arith.constant 0 : index
    %get3A_62 = arith.constant 0 : index
    %get3A_63 = vector.load %arg7[%get3A_61, %get3A_62] : memref<1024x32xf32, #tpu.memory_space<vmem>>, vector<1024x32xf32>
    %get3A_64 = arith.constant 0 : index
    %get3A_65 = arith.constant 0 : index
    %get3A_66 = vector.load %arg8[%get3A_64, %get3A_65] : memref<1024x32xf32, #tpu.memory_space<vmem>>, vector<1024x32xf32>
    %concatenate3A_67 = tpu.concatenate %get3A_63, %get3A_66 in 0 : vector<1024x32xf32>, vector<1024x32xf32> -> vector<2048x32xf32>
    %get3A_68 = arith.constant 0 : index
    %get3A_69 = arith.constant 0 : index
    %get3A_70 = vector.load %arg9[%get3A_68, %get3A_69] : memref<1024x64xf32, #tpu.memory_space<vmem>>, vector<1024x64xf32>
    %get3A_71 = arith.constant 0 : index
    %get3A_72 = arith.constant 0 : index
    %get3A_73 = vector.load %arg10[%get3A_71, %get3A_72] : memref<1024x64xf32, #tpu.memory_space<vmem>>, vector<1024x64xf32>
    %concatenate3A_74 = tpu.concatenate %get3A_70, %get3A_73 in 0 : vector<1024x64xf32>, vector<1024x64xf32> -> vector<2048x64xf32>
    %concatenate3A_75 = tpu.concatenate %add3A_53, %concatenate3A_60, %concatenate3A_67, %concatenate3A_74 in 1 : vector<2048x64xf32>, vector<2048x64xf32>, vector<2048x32xf32>, vector<2048x64xf32> -> vector<2048x224xf32>
    %convert_element_type3A = arith.truncf %concatenate3A_75 : vector<2048x224xf32> to vector<2048x224xbf16>
    %get3A_76 = arith.constant 0 : index
    %get3A_77 = arith.constant 0 : index
    %get3A_78 = vector.load %arg16[%get3A_76, %get3A_77] : memref<224x256xbf16, #tpu.memory_space<vmem>>, vector<224x256xbf16>
    %dot_general3A_79 = arith.constant dense<0.000000e+00> : vector<2048x256xf32>
    %dot_general3A_80 = tpu.matmul %convert_element_type3A, %get3A_78, %dot_general3A_79 {dimension_numbers = #tpu.dot_dimension_numbers<[1], [0], [0], [1], [0, 0, 1, 1], [], []>, transpose_lhs_hint = false} : vector<2048x224xbf16>, vector<224x256xbf16>, vector<2048x256xf32> -> vector<2048x256xf32>
    %get3A_81 = arith.constant 0 : index
    %get3A_82 = arith.constant 0 : index
    %get3A_83 = vector.load %arg17[%get3A_81, %get3A_82] : memref<1x256xf32, #tpu.memory_space<vmem>>, vector<1x256xf32>
    %add3A_84 = vector.broadcast %get3A_83 : vector<1x256xf32> to vector<2048x256xf32>
    %add3A_85 = arith.addf %dot_general3A_80, %add3A_84 : vector<2048x256xf32>
    %max3A = arith.constant 0.000000e+00 : f32
    %max3A_86 = vector.broadcast %max3A : f32 to vector<2048x256xf32>
    %max3A_87 = arith.maximumf %add3A_85, %max3A_86 : vector<2048x256xf32>
    %convert_element_type3A_88 = arith.truncf %max3A_87 : vector<2048x256xf32> to vector<2048x256xbf16>
    %get3A_89 = arith.constant 0 : index
    %get3A_90 = arith.constant 0 : index
    %get3A_91 = vector.load %arg18[%get3A_89, %get3A_90] : memref<256x256xbf16, #tpu.memory_space<vmem>>, vector<256x256xbf16>
    %dot_general3A_92 = arith.constant dense<0.000000e+00> : vector<2048x256xf32>
    %dot_general3A_93 = tpu.matmul %convert_element_type3A_88, %get3A_91, %dot_general3A_92 {dimension_numbers = #tpu.dot_dimension_numbers<[1], [0], [0], [1], [0, 0, 1, 1], [], []>, transpose_lhs_hint = false} : vector<2048x256xbf16>, vector<256x256xbf16>, vector<2048x256xf32> -> vector<2048x256xf32>
    %get3A_94 = arith.constant 0 : index
    %get3A_95 = arith.constant 0 : index
    %get3A_96 = vector.load %arg19[%get3A_94, %get3A_95] : memref<1x256xf32, #tpu.memory_space<vmem>>, vector<1x256xf32>
    %add3A_97 = vector.broadcast %get3A_96 : vector<1x256xf32> to vector<2048x256xf32>
    %add3A_98 = arith.addf %dot_general3A_93, %add3A_97 : vector<2048x256xf32>
    %slice3A_99 = vector.extract_strided_slice %add3A_98 {offsets = [0, 0], sizes = [1024, 256], strides = [1, 1]} : vector<2048x256xf32> to vector<1024x256xf32>
    %slice3A_100 = vector.extract_strided_slice %add3A_98 {offsets = [1024, 0], sizes = [1024, 256], strides = [1, 1]} : vector<2048x256xf32> to vector<1024x256xf32>
    %get3A_101 = arith.constant 0 : index
    %get3A_102 = arith.constant 0 : index
    %get3A_103 = vector.load %arg20[%get3A_101, %get3A_102] : memref<256x1xf32, #tpu.memory_space<vmem>>, vector<256x1xf32>
    %dot_general3A_104 = arith.constant dense<0.000000e+00> : vector<1024x1xf32>
    %dot_general3A_105 = tpu.matmul %slice3A_99, %get3A_103, %dot_general3A_104 {dimension_numbers = #tpu.dot_dimension_numbers<[1], [0], [0], [1], [0, 0, 1, 1], [], []>, transpose_lhs_hint = false} : vector<1024x256xf32>, vector<256x1xf32>, vector<1024x1xf32> -> vector<1024x1xf32>
    %get3A_106 = arith.constant 0 : index
    %get3A_107 = arith.constant 0 : index
    %get3A_108 = vector.load %arg21[%get3A_106, %get3A_107] : memref<256x1xf32, #tpu.memory_space<vmem>>, vector<256x1xf32>
    %dot_general3A_109 = arith.constant dense<0.000000e+00> : vector<1024x1xf32>
    %dot_general3A_110 = tpu.matmul %slice3A_100, %get3A_108, %dot_general3A_109 {dimension_numbers = #tpu.dot_dimension_numbers<[1], [0], [0], [1], [0, 0, 1, 1], [], []>, transpose_lhs_hint = false} : vector<1024x256xf32>, vector<256x1xf32>, vector<1024x1xf32> -> vector<1024x1xf32>
    %add3A_111 = arith.addf %dot_general3A_105, %dot_general3A_110 : vector<1024x1xf32>
    %get3A_112 = arith.constant 0 : index
    %get3A_113 = arith.constant 0 : index
    %get3A_114 = vector.load %arg11[%get3A_112, %get3A_113] : memref<1024x16xf32, #tpu.memory_space<vmem>>, vector<1024x16xf32>
    %get3A_115 = arith.constant 0 : index
    %get3A_116 = arith.constant 0 : index
    %get3A_117 = vector.load %arg22[%get3A_115, %get3A_116] : memref<16x1xf32, #tpu.memory_space<vmem>>, vector<16x1xf32>
    %dot_general3A_118 = arith.constant dense<0.000000e+00> : vector<1024x1xf32>
    %dot_general3A_119 = tpu.matmul %get3A_114, %get3A_117, %dot_general3A_118 {dimension_numbers = #tpu.dot_dimension_numbers<[1], [0], [0], [1], [0, 0, 1, 1], [], []>, transpose_lhs_hint = false} : vector<1024x16xf32>, vector<16x1xf32>, vector<1024x1xf32> -> vector<1024x1xf32>
    %add3A_120 = arith.addf %add3A_111, %dot_general3A_119 : vector<1024x1xf32>
    %get3A_121 = arith.constant 0 : index
    %get3A_122 = arith.constant 0 : index
    %get3A_123 = vector.load %arg23[%get3A_121, %get3A_122] : memref<1x1xf32, #tpu.memory_space<vmem>>, vector<1x1xf32>
    %add3A_124 = vector.broadcast %get3A_123 : vector<1x1xf32> to vector<1024x1xf32>
    %add3A_125 = arith.addf %add3A_120, %add3A_124 : vector<1024x1xf32>
    %swap3A = arith.constant 0 : index
    %swap3A_126 = arith.constant 0 : index
    %swap3A_127 = vector.load %arg24[%swap3A, %swap3A_126] : memref<1024x1xf32, #tpu.memory_space<vmem>>, vector<1024x1xf32>
    tpu.vector_store %arg24[%swap3A, %swap3A_126], %add3A_125 {strides = array<i32>} : memref<1024x1xf32, #tpu.memory_space<vmem>>, vector<1024x1xf32>,
    return
  }
  func.func @transform_0(%arg0: i32) -> (i32, i32) {
    %c0_i32 = arith.constant 0 : i32
    %c0_i32_0 = arith.constant 0 : i32
    return %arg0, %c0_i32 : i32, i32
  }
  func.func @transform_1(%arg0: i32) -> (i32, i32) {
    %c0_i32 = arith.constant 0 : i32
    %c0_i32_0 = arith.constant 0 : i32
    return %arg0, %c0_i32 : i32, i32
  }
  func.func @transform_2(%arg0: i32) -> (i32, i32) {
    %c0_i32 = arith.constant 0 : i32
    %c0_i32_0 = arith.constant 0 : i32
    return %arg0, %c0_i32 : i32, i32
  }
  func.func @transform_3(%arg0: i32) -> (i32, i32) {
    %c0_i32 = arith.constant 0 : i32
    %c0_i32_0 = arith.constant 0 : i32
    return %arg0, %c0_i32 : i32, i32
  }
  func.func @transform_4(%arg0: i32) -> (i32, i32) {
    %c0_i32 = arith.constant 0 : i32
    %c0_i32_0 = arith.constant 0 : i32
    return %arg0, %c0_i32 : i32, i32
  }
  func.func @transform_5(%arg0: i32) -> (i32, i32) {
    %c0_i32 = arith.constant 0 : i32
    %c0_i32_0 = arith.constant 0 : i32
    return %arg0, %c0_i32 : i32, i32
  }
  func.func @transform_6(%arg0: i32) -> (i32, i32) {
    %c0_i32 = arith.constant 0 : i32
    %c0_i32_0 = arith.constant 0 : i32
    return %arg0, %c0_i32 : i32, i32
  }
  func.func @transform_7(%arg0: i32) -> (i32, i32) {
    %c0_i32 = arith.constant 0 : i32
    %c0_i32_0 = arith.constant 0 : i32
    return %arg0, %c0_i32 : i32, i32
  }
  func.func @transform_8(%arg0: i32) -> (i32, i32) {
    %c0_i32 = arith.constant 0 : i32
    %c0_i32_0 = arith.constant 0 : i32
    return %arg0, %c0_i32 : i32, i32
  }
  func.func @transform_9(%arg0: i32) -> (i32, i32) {
    %c0_i32 = arith.constant 0 : i32
    %c0_i32_0 = arith.constant 0 : i32
    return %arg0, %c0_i32 : i32, i32
  }
  func.func @transform_10(%arg0: i32) -> (i32, i32) {
    %c0_i32 = arith.constant 0 : i32
    %c0_i32_0 = arith.constant 0 : i32
    return %arg0, %c0_i32 : i32, i32
  }
  func.func @transform_11(%arg0: i32) -> (i32, i32) {
    %c0_i32 = arith.constant 0 : i32
    %c0_i32_0 = arith.constant 0 : i32
    %c0_i32_1 = arith.constant 0 : i32
    return %c0_i32, %c0_i32_0 : i32, i32
  }
  func.func @transform_12(%arg0: i32) -> (i32, i32) {
    %c0_i32 = arith.constant 0 : i32
    %c0_i32_0 = arith.constant 0 : i32
    %c0_i32_1 = arith.constant 0 : i32
    return %c0_i32, %c0_i32_0 : i32, i32
  }
  func.func @transform_13(%arg0: i32) -> (i32, i32) {
    %c0_i32 = arith.constant 0 : i32
    %c0_i32_0 = arith.constant 0 : i32
    %c0_i32_1 = arith.constant 0 : i32
    return %c0_i32, %c0_i32_0 : i32, i32
  }
  func.func @transform_14(%arg0: i32) -> (i32, i32) {
    %c0_i32 = arith.constant 0 : i32
    %c0_i32_0 = arith.constant 0 : i32
    %c0_i32_1 = arith.constant 0 : i32
    return %c0_i32, %c0_i32_0 : i32, i32
  }
  func.func @transform_15(%arg0: i32) -> (i32, i32) {
    %c0_i32 = arith.constant 0 : i32
    %c0_i32_0 = arith.constant 0 : i32
    %c0_i32_1 = arith.constant 0 : i32
    return %c0_i32, %c0_i32_0 : i32, i32
  }
  func.func @transform_16(%arg0: i32) -> (i32, i32) {
    %c0_i32 = arith.constant 0 : i32
    %c0_i32_0 = arith.constant 0 : i32
    %c0_i32_1 = arith.constant 0 : i32
    return %c0_i32, %c0_i32_0 : i32, i32
  }
  func.func @transform_17(%arg0: i32) -> (i32, i32) {
    %c0_i32 = arith.constant 0 : i32
    %c0_i32_0 = arith.constant 0 : i32
    %c0_i32_1 = arith.constant 0 : i32
    return %c0_i32, %c0_i32_0 : i32, i32
  }
  func.func @transform_18(%arg0: i32) -> (i32, i32) {
    %c0_i32 = arith.constant 0 : i32
    %c0_i32_0 = arith.constant 0 : i32
    %c0_i32_1 = arith.constant 0 : i32
    return %c0_i32, %c0_i32_0 : i32, i32
  }
  func.func @transform_19(%arg0: i32) -> (i32, i32) {
    %c0_i32 = arith.constant 0 : i32
    %c0_i32_0 = arith.constant 0 : i32
    %c0_i32_1 = arith.constant 0 : i32
    return %c0_i32, %c0_i32_0 : i32, i32
  }
  func.func @transform_20(%arg0: i32) -> (i32, i32) {
    %c0_i32 = arith.constant 0 : i32
    %c0_i32_0 = arith.constant 0 : i32
    %c0_i32_1 = arith.constant 0 : i32
    return %c0_i32, %c0_i32_0 : i32, i32
  }
  func.func @transform_21(%arg0: i32) -> (i32, i32) {
    %c0_i32 = arith.constant 0 : i32
    %c0_i32_0 = arith.constant 0 : i32
    %c0_i32_1 = arith.constant 0 : i32
    return %c0_i32, %c0_i32_0 : i32, i32
  }
  func.func @transform_22(%arg0: i32) -> (i32, i32) {
    %c0_i32 = arith.constant 0 : i32
    %c0_i32_0 = arith.constant 0 : i32
    %c0_i32_1 = arith.constant 0 : i32
    return %c0_i32, %c0_i32_0 : i32, i32
  }
  func.func @transform_23(%arg0: i32) -> (i32, i32) {
    %c0_i32 = arith.constant 0 : i32
    %c0_i32_0 = arith.constant 0 : i32
    return %arg0, %c0_i32 : i32, i32
  }
}

</mosaic_0001>

<sc_bundles>
// kernel: kernel.6.cloned.1.call-start
scs
__scs_entry_jumppad:
0x0: {  	(pc) =	sbr.rel $0x88, $3  }
0x1: {  	(tag) =	ssettag $0x0;
	lr =	simm.s32 $0x1  }
0x2: {  	[smem:$0x3F87] =	sst lr;
	_ =	strace $0xD0000000  }
0x3: {  	_ = 	snop  }
0x4: {  	_ = 	snop  }
0x5: {  	_ = 	snop  }
0x6: {  	_ = 	snop  }
0x7: {  	_ = 	snop  }
__scs_overlays_trampoline_lowered:
0x8: {  	[smem:$0x3F96] =	sst s0  }
0x9: {  	[smem:$0x3F97] =	sst s1  }
0xa: {  	[smem:$0x3F98] =	sst s2  }
0xb: {  	[smem:$0x3F99] =	sst s3  }
0xc: {  	[smem:$0x3F9A] =	sst s4  }
0xd: {  	[smem:$0x3F9B] =	sst s5  }
0xe: {  	[smem:$0x3F9C] =	sst s6  }
0xf: {  	[smem:$0x3F9D] =	sst s7  }
0x10: {  	[smem:$0x3F9E] =	sst s8  }
0x11: {  	[smem:$0x3F9F] =	sst s9;
	s0 =	simm.s32 @!p0 $0x0  }
0x12: {  	s1 =	sld [smem:$0x3F85];
	s0 =	simm.s32 @p0 $0x1  }
0x13: {  	[smem:$0x3FA0] =	sst s0;
	s0 =	simm.s32 @!p1 $0x0  }
0x14: {  	s2 =	sld [smem:$0x3F84];
	s0 =	simm.s32 @p1 $0x1  }
0x15: {  	[smem:$0x3FA1] =	sst s0;
	s0 =	simm.s32 @!p2 $0x0  }
0x16: {  	s3 =	sld [smem:$0x3FDB];
	s0 =	simm.s32 @p2 $0x1  }
0x17: {  	s4 =	simm.s32 $0x1BF5;
	[smem:$0x3FA3] =	sst s0  }
0x18: {  	s0 =	sld [smem:$0x3F86];
	_ =	swait.ge [sflag:s4], $0x0  }
0x19: {  	s7 =	sld [smem:$0x3F87]  }
0x1a: {  	s8 =	sadd.s32 $0xFFFFE003, lr  }
0x1b: {  	s9 =	sadd.s32 $0xFFFFFEF7, lr;
	s5 =	simm.s32 $0xFFFFFFFF;
	p2 =	slt.u32 s8, $0xFFFFF086  }
0x1c: {  	p1 =	slt.u32 s9, $0xF7A;
	s5 =	simm.s32 @!p2 $0x0  }
0x1d: {  	s5 =	simm.s32 @p1 $0x1;
	p0 =	seq.s32 s7, s2  }
0x1e: {  	s7 =	smul.u32 @!p0 $0xF7A, s2;
	p2 =	seq.s32 @!p0 s5, $0x0  }
0x1f: {  	s9 =	smul.u32 $0xF7A, s1;
	s8 =	simm.s32 @!p0 $0x1BF5;
	p2 =	por !p2, p0  }
0x20: {  	[sflag:s8] =	ssyncset.s32 @!p0 $0xFFFFF086;
	s6 =	sadd.s32 @!p0 s3, s7;
	s7 =	simm.s32 @!p0 $0x108  }
0x21: {  	s3 =	sadd.s32 s3, s9;
	s6 =	sadd.s32 @!p0 $0x88, s6;
	s7 =	simm.s32 @p2 $0x1082  }
0x22: {  	[simem:s7], [sflag:s8] =	dma.local @!p0 [hbm:s6], $0xF7A  }
0x23: {  	s9 =	sor.u32 $0xD0000000, s2;
	s6 =	simm.s32 $0x108;
	_ =	swait.ge @!p0 [sflag:s8], $0x0  }
0x24: {  	s3 =	sadd.s32 $0x88, s3;
	s6 =	simm.s32 @!p1 $0x1082;
	[sflag:s4] =	ssyncset.s32 $0xFFFFF086  }
0x25: {  	[simem:s6], [sflag:s4] =	dma.local [hbm:s3], $0xF7A  }
0x26: {  	[smem:$0x3F87] =	sst s1;
	(tag) =	ssettag s2;
	_ =	strace s9  }
0x27: {  	s1 =	sld [smem:$0x3F97]  }
0x28: {  	s2 =	sld [smem:$0x3F98]  }
0x29: {  	s4 =	sld [smem:$0x3F9A]  }
0x2a: {  	p0 =	seq.s32 s5, $0x0;
	s5 =	sld [smem:$0x3F9B]  }
0x2b: {  	s6 =	sld [smem:$0x3F9C]  }
0x2c: {  	s7 =	sld [smem:$0x3F9D]  }
0x2d: {  	s3 =	simm.s32 $0x108;
	s8 =	sld [smem:$0x3F9E]  }
0x2e: {  	s3 =	simm.s32 @!p0 $0x1082;
	s9 =	sld [smem:$0x3F9F]  }
0x2f: {  	lr =	sadd.s32 s0, s3;
	s0 =	sld [smem:$0x3F96]  }
0x30: {  	s3 =	sld [smem:$0x3F99]  }
0x31: {  	[smem:$0x3FA2] =	sst s10  }
0x32: {  	s10 =	sld [smem:$0x3FA0];
	_ =	sdelay $0x3  }
0x33: {  	p0 =	seq.s32 s10, $0x1;
	s10 =	sld [smem:$0x3FA2];
	_ =	sdelay $0x3  }
0x34: {  	[smem:$0x3FA2] =	sst s10  }
0x35: {  	s10 =	sld [smem:$0x3FA1];
	_ =	sdelay $0x3  }
0x36: {  	p1 =	seq.s32 s10, $0x1;
	s10 =	sld [smem:$0x3FA2];
	_ =	sdelay $0x3  }
0x37: {  	[smem:$0x3FA2] =	sst s10  }
0x38: {  	s10 =	sld [smem:$0x3FA3]  }
0x39: {  	_ = 	snop;
	(pc) =	sbr.ind lr, $3  }
0x3a: {  	_ = 	snop  }
0x3b: {  	_ = 	snop  }
0x3c: {  	p2 =	seq.s32 s10, $0x1;
	s10 =	sld [smem:$0x3FA2]  }
0x3d: {  	_ =	shalt  }
0x3e: {  	_ =	shalt  }
0x3f: {  	_ =	shalt  }
0x40: {  	_ =	shalt  }
0x41: {  	_ =	shalt  }
0x42: {  	_ =	shalt  }
0x43: {  	_ =	shalt  }
0x44: {  	_ =	shalt  }
0x45: {  	_ =	shalt  }
0x46: {  	_ =	shalt  }
0x47: {  	_ =	shalt  }
0x48: {  	_ =	shalt  }
0x49: {  	_ =	shalt  }
0x4a: {  	_ =	shalt  }
0x4b: {  	_ =	shalt  }
0x4c: {  	_ =	shalt  }
0x4d: {  	_ =	shalt  }
0x4e: {  	_ =	shalt  }
0x4f: {  	_ =	shalt  }
0x50: {  	_ =	shalt  }
0x51: {  	_ =	shalt  }
0x52: {  	_ =	shalt  }
0x53: {  	_ =	shalt  }
0x54: {  	_ =	shalt  }
0x55: {  	_ =	shalt  }
0x56: {  	_ =	shalt  }
0x57: {  	_ =	shalt  }
0x58: {  	_ =	shalt  }
0x59: {  	_ =	shalt  }
0x5a: {  	_ =	shalt  }
0x5b: {  	_ =	shalt  }
0x5c: {  	_ =	shalt  }
0x5d: {  	_ =	shalt  }
0x5e: {  	_ =	shalt  }
0x5f: {  	_ =	shalt  }
0x60: {  	_ =	shalt  }
0x61: {  	_ =	shalt  }
0x62: {  	_ =	shalt  }
0x63: {  	_ =	shalt  }
0x64: {  	_ =	shalt  }
0x65: {  	_ =	shalt  }
0x66: {  	_ =	shalt  }
0x67: {  	_ =	shalt  }
0x68: {  	_ =	shalt  }
0x69: {  	_ =	shalt  }
0x6a: {  	_ =	shalt  }
0x6b: {  	_ =	shalt  }
0x6c: {  	_ =	shalt  }
0x6d: {  	_ =	shalt  }
0x6e: {  	_ =	shalt  }
0x6f: {  	_ =	shalt  }
0x70: {  	_ =	shalt  }
0x71: {  	_ =	shalt  }
0x72: {  	_ =	shalt  }
0x73: {  	_ =	shalt  }
0x74: {  	_ =	shalt  }
0x75: {  	_ =	shalt  }
0x76: {  	_ =	shalt  }
0x77: {  	_ =	shalt  }
0x78: {  	_ =	shalt  }
0x79: {  	_ =	shalt  }
0x7a: {  	_ =	shalt  }
0x7b: {  	_ =	shalt  }
0x7c: {  	_ =	shalt  }
0x7d: {  	_ =	shalt  }
0x7e: {  	_ =	shalt  }
0x7f: {  	_ =	shalt  }
0x80: {  	_ =	shalt  }
0x81: {  	_ =	shalt  }
0x82: {  	_ =	shalt  }
0x83: {  	_ =	shalt  }
0x84: {  	_ =	shalt  }
0x85: {  	_ =	shalt  }
0x86: {  	_ =	shalt  }
0x87: {  	_ =	shalt  }
.Lfunc_end0:
.L_simem_size_0:
called_computation_lowered:
.L_overlay_start_0:
0x88: {  	s2 =	sld [smem:$0x3FD9]  }
0x89: {  	s3 =	sld [smem:$0x3FFE];
	_ =	sdelay $0x1  }
0x8a: {  	s1 =	srdreg.scid  }
0x8b: {  	s0 =	sand.u32 $0x1, s1  }
0x8c: {  	s17 =	sshll.u32 s0, $0xA;
	s2 =	sadd.s32 s3, s2  }
0x8d: {  	s2 =	sadd.s32 s2, s17  }
0x8e: {  	[smem:$0x3FAE] =	sst s2  }
0x8f: {  	_ = 	snop  }
0x90: {  	s2 =	sld [smem:$0x3FC9]  }
0x91: {  	s18 =	sld [smem:$0x3FC8];
	(tm) =	ssettm $0x1  }
0x92: {  	s4 =	sld [smem:$0x3FFB];
	_ =	sdelay $0x3  }
0x93: {  	_ =	strace s4  }
0x94: {  	s4 =	sld [smem:$0x3FFC];
	_ =	sdelay $0x3  }
0x95: {  	_ =	strace s4  }
0x96: {  	s4 =	sld [smem:$0x3FFD];
	_ =	sdelay $0x3  }
0x97: {  	_ =	strace s4  }
0x98: {  	_ =	strace $0x8FFFFFFF  }
0x99: {  	s19 =	sld [smem:$0x3FDB];
	_ =	sdelay $0x1  }
0x9a: {  	s5 =	simm.s32 $_scs_section_size  }
0x9b: {  	s6 =	simm.s32 $_size__tile_overlayer_lowered;
	s7 =	simm.s32 $_tile_overlayer_lowered  }
0x9c: {  	s22 =	simm.s32 $0x1BFF;
	s21 =	sshll.u32 s7, $0x1;
	s4 =	sadd.s32 s5, s19  }
0x9d: {  	s8 =	simm.s32 $0x0;
	s20 =	sshll.u32 s6, $0x1;
	s6 =	sadd.s32 s21, s4  }
0x9e: {  	[timem:s8], [sflag:s22] =	dma.local [hbm:s6], s20  }
0x9f: {  	_ =	swait.ge [sflag:s22], s20  }
0xa0: {  	s5 =	ssub.s32 $0x0, s20;
	[sflag:s22] =	ssyncset.done $0x0  }
0xa1: {  	[sflag:s22] =	ssyncadd.s32 s5;
	_ =	sdelay $0x1  }
0xa2: {  	s23 =	simm.s32 $0x1B8B  }
0xa3: {  	_ =	swait.ge [sflag:s23], $0x1  }
0xa4: {  	[sflag:s23] =	ssyncset.done $0x0  }
0xa5: {  	s25 =	simm.s32 $0x1B8E;
	s24 =	sld [smem:$0x3FFE];
	[sflag:s23] =	ssyncadd.s32 $0xFFFFFFFF  }
0xa6: {  	s26 =	simm.s32 $execute0_lowered;
	[smem:$0x3FD2] =	sst s25  }
0xa7: {  	s6 =	sshll.u32 s26, $0x1;
	_ =	strace $0x80000046;
	[dreg:$0x1] =	wrdreg $0xFFFFFFFF  }
0xa8: {  	s28 =	simm.s32 $_size_execute0_lowered;
	s4 =	sadd.s32 s4, s6;
	[dreg:$0x0] =	wrdreg $0x0  }
0xa9: {  	s6 =	sshll.u32 s28, $0x1;
	[dreg:$0x2] =	wrdreg s4  }
0xaa: {  	[dreg:$0x3] =	wrdreg s6  }
0xab: {  	[dreg:$0x4] =	wrdreg $0xC0  }
0xac: {  	_ =	task [dreg:s8], $0x5FFFF  }
0xad: {  	[dreg:$0x1] =	wrdreg $0xFFFFFFFF  }
0xae: {  	[dreg:$0x0] =	wrdreg $0x60  }
0xaf: {  	[dreg:$0x2] =	wrdreg s24  }
0xb0: {  	[dreg:$0x3] =	wrdreg s2  }
0xb1: {  	[dreg:$0x4] =	wrdreg s18  }
0xb2: {  	[dreg:$0x5] =	wrdreg $0x9  }
0xb3: {  	_ =	task.clear_ibuf [dreg:s8], $0x6FFFF;
	_ =	strace $0x90000046  }
0xb4: {  	s29 =	simm.s32 $0x9;
	_ =	strace $0x80000048  }
0xb5: {  	_ =	swait.ge [sflag:s29], $0x1  }
0xb6: {  	[sflag:s29] =	ssyncadd.s32 $0xFFFFFFFF  }
0xb7: {  	_ =	strace $0x90000048  }
0xb8: {  	_ =	sfence  }
0xb9: {  	s30 =	sld [smem:$0x0];
	_ =	sdelay $0x2  }
0xba: {  	s31 =	sshll.u32 s1, $0xD;
	s1 =	sshrl.u32 s1, $0x2  }
0xbb: {  	s3 =	sand.u32 $0x4000, s31;
	s1 =	sadd.s32 s1, s30  }
0xbc: {  	s0 =	sor.u32 s3, s0;
	s1 =	sshll.u32 s1, $0x11  }
0xbd: {  	s0 =	sor.u32 s1, s0  }
0xbe: {  	s0 =	sadd.s32 $0x8F2B, s0  }
0xbf: {  	[sflag:s0] =	ssyncadd.remote.s32 $0x1  }
0xc0: {  	_ =	sfence.sel $0xFFFF  }
0xc1: {  	[dreg:$0x0] =	wrdreg $0xFFFFFFFF;
	(pc) =	sbr.abs _section_cstart, $3  }
0xc2: {  	[dreg:$0x1] =	wrdreg $0xFFFFFFFF  }
0xc3: {  	_ =	task.clear_ibuf [dreg:s8], $0x2FFFF;
	_ =	strace $0x9FFFFFFF  }
0xc4: {  	(tm) =	ssettm $0x7FFFFFFF  }
0xc5: {  	_ =	shalt  }
tec
execute0_lowered:
.L_overlay_start_1:
0x0: {  	(tag) =	ssettag $0x1  }
0x1: {  	s16 =	rddreg [dreg:$0x0];
	s1 =	srdreg.scid  }
0x2: {  	s3 =	rddreg [dreg:$0x1];
	s0 =	stileid.u32;
	s17 =	sand.u32 $0x1, s1  }
0x3: {  	s5 =	rddreg [dreg:$0x2];
	s4 =	sshll.u32 s0, $0x7;
	s6 =	sshll.u32 s17, $0x6  }
0x4: {  	s2 =	simm.s32 $0x0;
	s1 =	rddreg [dreg:$0x3];
	s18 =	sor.u32 s6, s4  }
0x5: {  	[smem:$0x7FF] =	sst s2;
	s6 =	sshrl.u32 s18, $0x3  }
0x6: {  	_ =	strace $0x80000047;
	s4 =	sadd.s32 s3, s6;
	s3 =	simm.s32 $0x2  }
0x7: {  	[tilespmem:s2], [sflag:$0x2] =	stream.linear.gather [hbm4b:s4+s2], $0x40, $0x38;
	[tilespmem:$0x3080] =	vst v63  }
0x8: {  	_ =	swait.ge [sflag:s3], $0x40  }
0x9: {  	[sflag:s3] =	ssyncset.done $0x0  }
0xa: {  	s5 =	sadd.s32 s5, s6;
	s6 =	simm.s32 $0x40;
	[sflag:s3] =	ssyncadd.s32 $0xFFFFFFC0  }
0xb: {  	[tilespmem:s6], [sflag:$0x2] =	stream.linear.gather [hbm4b:s5+s2], $0x40, $0x38;
	[tilespmem:$0x3080] =	vst v63  }
0xc: {  	_ =	swait.ge [sflag:s3], $0x40  }
0xd: {  	[sflag:s3] =	ssyncset.done $0x0  }
0xe: {  	s8 =	simm.s32 $0x80;
	s7 =	sadd.s32 $0x4600, s16;
	[sflag:s3] =	ssyncadd.s32 $0xFFFFFFC0  }
0xf: {  	[tilespmem:s8], [sflag:$0x1] =	stream.indirect.gather [hbm4b:s7+s6], $0x40, s2, s6, $0xb8;
	[tilespmem:$0x3080] =	vst v63  }
0x10: {  	s9 =	simm.s32 $0x1080  }
0x11: {  	[tilespmem:s9], [sflag:$0x1] =	stream.indirect.gather [hbm4b:s7+s6], $0x40, s6, s6, $0xb8;
	[tilespmem:$0x3080] =	vst v63  }
0x12: {  	s11 =	simm.s32 $0x2080;
	s10 =	sadd.s32 $0x18000, s16  }
0x13: {  	[tilespmem:s11], [sflag:$0x1] =	stream.indirect.gather [hbm4b:s10+s6], $0x20, s2, s6, $0xb8;
	[tilespmem:$0x3080] =	vst v63  }
0x14: {  	s12 =	simm.s32 $0x2880;
	s13 =	simm.s32 $0x1  }
0x15: {  	[tilespmem:s12], [sflag:$0x1] =	stream.indirect.gather [hbm4b:s10+s6], $0x20, s6, s6, $0xb8;
	[tilespmem:$0x3080] =	vst v63  }
0x16: {  	_ =	swait.ge [sflag:s13], $0x1000  }
0x17: {  	[sflag:s13] =	ssyncset.done $0x0  }
0x18: {  	[sflag:s13] =	ssyncadd.s32 $0xFFFFF000  }
0x19: {  	_ =	swait.ge [sflag:s13], $0x1000  }
0x1a: {  	[sflag:s13] =	ssyncset.done $0x0  }
0x1b: {  	[sflag:s13] =	ssyncadd.s32 $0xFFFFF000  }
0x1c: {  	_ =	swait.ge [sflag:s13], $0x800  }
0x1d: {  	[sflag:s13] =	ssyncset.done $0x0  }
0x1e: {  	[sflag:s13] =	ssyncadd.s32 $0xFFFFF800  }
0x1f: {  	s14 =	sshll.u32 s18, $0x3;
	_ =	swait.ge [sflag:s13], $0x800  }
0x20: {  	s15 =	sadd.s32 s14, s16;
	[sflag:s13] =	ssyncset.done $0x0  }
0x21: {  	s14 =	sadd.s32 $0x25E00, s15;
	[sflag:s13] =	ssyncadd.s32 $0xFFFFF800  }
0x22: {  	[hbm4b:s14+s2] =	stream.linear.scatter [tilespmem:s8], [sflag:$0x2], $0x1000, $0x38;
	[tilespmem:$0x3080] =	vst v63  }
0x23: {  	_ =	swait.ge [sflag:s3], $0x1000  }
0x24: {  	[sflag:s3] =	ssyncset.done $0x0  }
0x25: {  	s17 =	ssub.s32 $0x2, s17;
	s15 =	sadd.s32 $0x21E00, s15;
	[sflag:s3] =	ssyncadd.s32 $0xFFFFF000  }
0x26: {  	[hbm4b:s15+s2] =	stream.linear.scatter [tilespmem:s9], [sflag:$0x2], $0x1000, $0x38;
	[tilespmem:$0x3080] =	vst v63  }
0x27: {  	s19 =	sshrl.u32 s17, $0x1;
	s18 =	sshll.u32 s18, $0x2;
	_ =	swait.ge [sflag:s3], $0x1000  }
0x28: {  	s19 =	ssub.s32 s17, s19;
	s18 =	sadd.s32 s18, s16;
	[sflag:s3] =	ssyncset.done $0x0  }
0x29: {  	s31 =	smax.u32 s19, $0x1;
	s16 =	sadd.s32 $0x2BE00, s18;
	[sflag:s3] =	ssyncadd.s32 $0xFFFFF000  }
0x2a: {  	[hbm4b:s16+s2] =	stream.linear.scatter [tilespmem:s11], [sflag:$0x2], $0x800, $0x38;
	[tilespmem:$0x3080] =	vst v63  }
0x2b: {  	p0 =	sne.s32 s31, $0x1;
	_ =	swait.ge [sflag:s3], $0x800  }
.Ltmp0:
0x2c: {  	[sflag:s3] =	ssyncset.done $0x0;
	(pc) =	sbr.rel @!p0 .LBB2_2-.Ltmp0, $4  }
0x2d: {  	s17 =	sadd.s32 $0x29E00, s18;
	[sflag:s3] =	ssyncadd.s32 $0xFFFFF800  }
0x2e: {  	[hbm4b:s17+s2] =	stream.linear.scatter [tilespmem:s12], [sflag:$0x2], $0x800, $0x38;
	[tilespmem:$0x3080] =	vst v63  }
0x2f: {  	_ =	swait.ge [sflag:s3], $0x800  }
0x30: {  	s18 =	sadd.s32 $0xFFFFFFFF, s31;
	[sflag:s3] =	ssyncset.done $0x0  }
.LBB2_1:
0x31: {  	p0 =	sne.s32 s18, $0x1;
	s18 =	sadd.s32 $0xFFFFFFFF, s18;
	[sflag:s3] =	ssyncadd.s32 $0xFFFFF800  }
0x32: {  	[tilespmem:s2], [sflag:$0x2] =	stream.linear.gather [hbm4b:s4+s2], $0x40, $0x38;
	[tilespmem:$0x3080] =	vst v63  }
0x33: {  	_ =	swait.ge [sflag:s3], $0x40  }
0x34: {  	[sflag:s3] =	ssyncset.done $0x0  }
0x35: {  	[sflag:s3] =	ssyncadd.s32 $0xFFFFFFC0  }
0x36: {  	[tilespmem:s6], [sflag:$0x2] =	stream.linear.gather [hbm4b:s5+s2], $0x40, $0x38;
	[tilespmem:$0x3080] =	vst v63  }
0x37: {  	_ =	swait.ge [sflag:s3], $0x40  }
0x38: {  	[sflag:s3] =	ssyncset.done $0x0  }
0x39: {  	[sflag:s3] =	ssyncadd.s32 $0xFFFFFFC0  }
0x3a: {  	[tilespmem:s8], [sflag:$0x1] =	stream.indirect.gather [hbm4b:s7+s6], $0x40, s2, s6, $0xb8;
	[tilespmem:$0x3080] =	vst v63  }
0x3b: {  	_ = 	snop  }
0x3c: {  	[tilespmem:s9], [sflag:$0x1] =	stream.indirect.gather [hbm4b:s7+s6], $0x40, s6, s6, $0xb8;
	[tilespmem:$0x3080] =	vst v63  }
0x3d: {  	_ = 	snop  }
0x3e: {  	[tilespmem:s11], [sflag:$0x1] =	stream.indirect.gather [hbm4b:s10+s6], $0x20, s2, s6, $0xb8;
	[tilespmem:$0x3080] =	vst v63  }
0x3f: {  	_ = 	snop  }
0x40: {  	[tilespmem:s12], [sflag:$0x1] =	stream.indirect.gather [hbm4b:s10+s6], $0x20, s6, s6, $0xb8;
	[tilespmem:$0x3080] =	vst v63  }
0x41: {  	_ =	swait.ge [sflag:s13], $0x1000  }
0x42: {  	[sflag:s13] =	ssyncset.done $0x0  }
0x43: {  	[sflag:s13] =	ssyncadd.s32 $0xFFFFF000  }
0x44: {  	_ =	swait.ge [sflag:s13], $0x1000  }
0x45: {  	[sflag:s13] =	ssyncset.done $0x0  }
0x46: {  	[sflag:s13] =	ssyncadd.s32 $0xFFFFF000  }
0x47: {  	_ =	swait.ge [sflag:s13], $0x800  }
0x48: {  	[sflag:s13] =	ssyncset.done $0x0  }
0x49: {  	[sflag:s13] =	ssyncadd.s32 $0xFFFFF800  }
0x4a: {  	_ =	swait.ge [sflag:s13], $0x800  }
0x4b: {  	[sflag:s13] =	ssyncset.done $0x0  }
0x4c: {  	[sflag:s13] =	ssyncadd.s32 $0xFFFFF800  }
0x4d: {  	[hbm4b:s14+s2] =	stream.linear.scatter [tilespmem:s8], [sflag:$0x2], $0x1000, $0x38;
	[tilespmem:$0x3080] =	vst v63  }
0x4e: {  	_ =	swait.ge [sflag:s3], $0x1000  }
0x4f: {  	[sflag:s3] =	ssyncset.done $0x0  }
0x50: {  	[sflag:s3] =	ssyncadd.s32 $0xFFFFF000  }
0x51: {  	[hbm4b:s15+s2] =	stream.linear.scatter [tilespmem:s9], [sflag:$0x2], $0x1000, $0x38;
	[tilespmem:$0x3080] =	vst v63  }
0x52: {  	_ =	swait.ge [sflag:s3], $0x1000  }
0x53: {  	[sflag:s3] =	ssyncset.done $0x0  }
0x54: {  	[sflag:s3] =	ssyncadd.s32 $0xFFFFF000  }
0x55: {  	[hbm4b:s16+s2] =	stream.linear.scatter [tilespmem:s11], [sflag:$0x2], $0x800, $0x38;
	[tilespmem:$0x3080] =	vst v63  }
0x56: {  	_ =	swait.ge [sflag:s3], $0x800  }
.Ltmp1:
0x57: {  	[sflag:s3] =	ssyncset.done $0x0;
	(pc) =	sbr.rel @p0 .LBB2_1-.Ltmp1, $4  }
0x58: {  	[sflag:s3] =	ssyncadd.s32 $0xFFFFF800  }
0x59: {  	[hbm4b:s17+s2] =	stream.linear.scatter [tilespmem:s12], [sflag:$0x2], $0x800, $0x38;
	[tilespmem:$0x3080] =	vst v63  }
0x5a: {  	_ =	swait.ge [sflag:s3], $0x800  }
0x5b: {  	[sflag:s3] =	ssyncset.done $0x0  }
.LBB2_2:
0x5c: {  	[sflag:s3] =	ssyncadd.s32 $0xFFFFF800  }
0x5d: {  	_ =	sfence.sel $0x180000  }
0x5e: {  	[bflag:$0x0] =	sbarrier.arrive $0xFFFF  }
0x5f: {  	p0 =	sne.s32 s0, $0x0;
	_ =	strace $0x90000047  }
0x60: {  	s0 =	sadd.s32 @!p0 $0x100000, s1;
	[bflag:$0x2] =	sbarrier.arrive $0xFFFF  }
0x61: {  	[sflag:s0] =	ssyncadd.tile.s32 @!p0 $0x1;
	_ =	shalt  }
.Lfunc_end2:
_tile_overlayer_lowered:
.L_overlay_start_2:
0x62: {  	(tag) =	ssettag $0x2  }
0x63: {  	s0 =	rddreg [dreg:$0x0];
	s2 =	stileid.u32  }
0x64: {  	s1 =	rddreg [dreg:$0x1];
	p0 =	sne.s32 s2, $0x0  }
0x65: {  	s3 =	rddreg [dreg:$0x2];
	[bflag:$0x3] =	sbarrier.arrive $0xFFFF;
	s2 =	simm.s32 @!p0 $0x1C02  }
0x66: {  	[timem:s3], [sflag:s2] =	dma.local @!p0 [hbm:s0], s1  }
0x67: {  	s0 =	simm.s32 @!p0 $0x2  }
0x68: {  	_ =	swait.ge @!p0 [sflag:s0], s1  }
0x69: {  	s1 =	ssub.s32 @!p0 $0x0, s1;
	[sflag:s0] =	ssyncset.done @!p0 $0x0  }
0x6a: {  	[sflag:s0] =	ssyncadd.s32 @!p0 s1  }
0x6b: {  	[bflag:$0x3] =	sbarrier.arrive $0xFFFF  }
0x6c: {  	_ =	shalt  }

// kernel: kernel.9.cloned.1.call-start
scs
__scs_entry_jumppad:
0x0: {  	(pc) =	sbr.rel $0x88, $3  }
0x1: {  	(tag) =	ssettag $0x0;
	lr =	simm.s32 $0x1  }
0x2: {  	[smem:$0x3F87] =	sst lr;
	_ =	strace $0xD0000000  }
0x3: {  	_ = 	snop  }
0x4: {  	_ = 	snop  }
0x5: {  	_ = 	snop  }
0x6: {  	_ = 	snop  }
0x7: {  	_ = 	snop  }
__scs_overlays_trampoline_lowered:
0x8: {  	[smem:$0x3F96] =	sst s0  }
0x9: {  	[smem:$0x3F97] =	sst s1  }
0xa: {  	[smem:$0x3F98] =	sst s2  }
0xb: {  	[smem:$0x3F99] =	sst s3  }
0xc: {  	[smem:$0x3F9A] =	sst s4  }
0xd: {  	[smem:$0x3F9B] =	sst s5  }
0xe: {  	[smem:$0x3F9C] =	sst s6  }
0xf: {  	[smem:$0x3F9D] =	sst s7  }
0x10: {  	[smem:$0x3F9E] =	sst s8  }
0x11: {  	[smem:$0x3F9F] =	sst s9;
	s0 =	simm.s32 @!p0 $0x0  }
0x12: {  	s1 =	sld [smem:$0x3F85];
	s0 =	simm.s32 @p0 $0x1  }
0x13: {  	[smem:$0x3FA0] =	sst s0;
	s0 =	simm.s32 @!p1 $0x0  }
0x14: {  	s2 =	sld [smem:$0x3F84];
	s0 =	simm.s32 @p1 $0x1  }
0x15: {  	[smem:$0x3FA1] =	sst s0;
	s0 =	simm.s32 @!p2 $0x0  }
0x16: {  	s3 =	sld [smem:$0x3FDB];
	s0 =	simm.s32 @p2 $0x1  }
0x17: {  	s4 =	simm.s32 $0x1BF5;
	[smem:$0x3FA3] =	sst s0  }
0x18: {  	s0 =	sld [smem:$0x3F86];
	_ =	swait.ge [sflag:s4], $0x0  }
0x19: {  	s7 =	sld [smem:$0x3F87]  }
0x1a: {  	s8 =	sadd.s32 $0xFFFFE003, lr  }
0x1b: {  	s9 =	sadd.s32 $0xFFFFFEF7, lr;
	s5 =	simm.s32 $0xFFFFFFFF;
	p2 =	slt.u32 s8, $0xFFFFF086  }
0x1c: {  	p1 =	slt.u32 s9, $0xF7A;
	s5 =	simm.s32 @!p2 $0x0  }
0x1d: {  	s5 =	simm.s32 @p1 $0x1;
	p0 =	seq.s32 s7, s2  }
0x1e: {  	s7 =	smul.u32 @!p0 $0xF7A, s2;
	p2 =	seq.s32 @!p0 s5, $0x0  }
0x1f: {  	s9 =	smul.u32 $0xF7A, s1;
	s8 =	simm.s32 @!p0 $0x1BF5;
	p2 =	por !p2, p0  }
0x20: {  	[sflag:s8] =	ssyncset.s32 @!p0 $0xFFFFF086;
	s6 =	sadd.s32 @!p0 s3, s7;
	s7 =	simm.s32 @!p0 $0x108  }
0x21: {  	s3 =	sadd.s32 s3, s9;
	s6 =	sadd.s32 @!p0 $0x88, s6;
	s7 =	simm.s32 @p2 $0x1082  }
0x22: {  	[simem:s7], [sflag:s8] =	dma.local @!p0 [hbm:s6], $0xF7A  }
0x23: {  	s9 =	sor.u32 $0xD0000000, s2;
	s6 =	simm.s32 $0x108;
	_ =	swait.ge @!p0 [sflag:s8], $0x0  }
0x24: {  	s3 =	sadd.s32 $0x88, s3;
	s6 =	simm.s32 @!p1 $0x1082;
	[sflag:s4] =	ssyncset.s32 $0xFFFFF086  }
0x25: {  	[simem:s6], [sflag:s4] =	dma.local [hbm:s3], $0xF7A  }
0x26: {  	[smem:$0x3F87] =	sst s1;
	(tag) =	ssettag s2;
	_ =	strace s9  }
0x27: {  	s1 =	sld [smem:$0x3F97]  }
0x28: {  	s2 =	sld [smem:$0x3F98]  }
0x29: {  	s4 =	sld [smem:$0x3F9A]  }
0x2a: {  	p0 =	seq.s32 s5, $0x0;
	s5 =	sld [smem:$0x3F9B]  }
0x2b: {  	s6 =	sld [smem:$0x3F9C]  }
0x2c: {  	s7 =	sld [smem:$0x3F9D]  }
0x2d: {  	s3 =	simm.s32 $0x108;
	s8 =	sld [smem:$0x3F9E]  }
0x2e: {  	s3 =	simm.s32 @!p0 $0x1082;
	s9 =	sld [smem:$0x3F9F]  }
0x2f: {  	lr =	sadd.s32 s0, s3;
	s0 =	sld [smem:$0x3F96]  }
0x30: {  	s3 =	sld [smem:$0x3F99]  }
0x31: {  	[smem:$0x3FA2] =	sst s10  }
0x32: {  	s10 =	sld [smem:$0x3FA0];
	_ =	sdelay $0x3  }
0x33: {  	p0 =	seq.s32 s10, $0x1;
	s10 =	sld [smem:$0x3FA2];
	_ =	sdelay $0x3  }
0x34: {  	[smem:$0x3FA2] =	sst s10  }
0x35: {  	s10 =	sld [smem:$0x3FA1];
	_ =	sdelay $0x3  }
0x36: {  	p1 =	seq.s32 s10, $0x1;
	s10 =	sld [smem:$0x3FA2];
	_ =	sdelay $0x3  }
0x37: {  	[smem:$0x3FA2] =	sst s10  }
0x38: {  	s10 =	sld [smem:$0x3FA3]  }
0x39: {  	_ = 	snop;
	(pc) =	sbr.ind lr, $3  }
0x3a: {  	_ = 	snop  }
0x3b: {  	_ = 	snop  }
0x3c: {  	p2 =	seq.s32 s10, $0x1;
	s10 =	sld [smem:$0x3FA2]  }
0x3d: {  	_ =	shalt  }
0x3e: {  	_ =	shalt  }
0x3f: {  	_ =	shalt  }
0x40: {  	_ =	shalt  }
0x41: {  	_ =	shalt  }
0x42: {  	_ =	shalt  }
0x43: {  	_ =	shalt  }
0x44: {  	_ =	shalt  }
0x45: {  	_ =	shalt  }
0x46: {  	_ =	shalt  }
0x47: {  	_ =	shalt  }
0x48: {  	_ =	shalt  }
0x49: {  	_ =	shalt  }
0x4a: {  	_ =	shalt  }
0x4b: {  	_ =	shalt  }
0x4c: {  	_ =	shalt  }
0x4d: {  	_ =	shalt  }
0x4e: {  	_ =	shalt  }
0x4f: {  	_ =	shalt  }
0x50: {  	_ =	shalt  }
0x51: {  	_ =	shalt  }
0x52: {  	_ =	shalt  }
0x53: {  	_ =	shalt  }
0x54: {  	_ =	shalt  }
0x55: {  	_ =	shalt  }
0x56: {  	_ =	shalt  }
0x57: {  	_ =	shalt  }
0x58: {  	_ =	shalt  }
0x59: {  	_ =	shalt  }
0x5a: {  	_ =	shalt  }
0x5b: {  	_ =	shalt  }
0x5c: {  	_ =	shalt  }
0x5d: {  	_ =	shalt  }
0x5e: {  	_ =	shalt  }
0x5f: {  	_ =	shalt  }
0x60: {  	_ =	shalt  }
0x61: {  	_ =	shalt  }
0x62: {  	_ =	shalt  }
0x63: {  	_ =	shalt  }
0x64: {  	_ =	shalt  }
0x65: {  	_ =	shalt  }
0x66: {  	_ =	shalt  }
0x67: {  	_ =	shalt  }
0x68: {  	_ =	shalt  }
0x69: {  	_ =	shalt  }
0x6a: {  	_ =	shalt  }
0x6b: {  	_ =	shalt  }
0x6c: {  	_ =	shalt  }
0x6d: {  	_ =	shalt  }
0x6e: {  	_ =	shalt  }
0x6f: {  	_ =	shalt  }
0x70: {  	_ =	shalt  }
0x71: {  	_ =	shalt  }
0x72: {  	_ =	shalt  }
0x73: {  	_ =	shalt  }
0x74: {  	_ =	shalt  }
0x75: {  	_ =	shalt  }
0x76: {  	_ =	shalt  }
0x77: {  	_ =	shalt  }
0x78: {  	_ =	shalt  }
0x79: {  	_ =	shalt  }
0x7a: {  	_ =	shalt  }
0x7b: {  	_ =	shalt  }
0x7c: {  	_ =	shalt  }
0x7d: {  	_ =	shalt  }
0x7e: {  	_ =	shalt  }
0x7f: {  	_ =	shalt  }
0x80: {  	_ =	shalt  }
0x81: {  	_ =	shalt  }
0x82: {  	_ =	shalt  }
0x83: {  	_ =	shalt  }
0x84: {  	_ =	shalt  }
0x85: {  	_ =	shalt  }
0x86: {  	_ =	shalt  }
0x87: {  	_ =	shalt  }
.Lfunc_end0:
.L_simem_size_0:
called_computation.1_lowered:
.L_overlay_start_0:
0x88: {  	s2 =	sld [smem:$0x3FD9]  }
0x89: {  	s3 =	sld [smem:$0x3FFE];
	_ =	sdelay $0x1  }
0x8a: {  	s1 =	srdreg.scid  }
0x8b: {  	s0 =	sand.u32 $0x1, s1  }
0x8c: {  	s17 =	sshll.u32 s0, $0xA;
	s2 =	sadd.s32 s3, s2  }
0x8d: {  	s2 =	sadd.s32 s2, s17  }
0x8e: {  	[smem:$0x3FAE] =	sst s2  }
0x8f: {  	_ = 	snop  }
0x90: {  	s2 =	sld [smem:$0x3FC9]  }
0x91: {  	s18 =	sld [smem:$0x3FC8]  }
0x92: {  	s4 =	sld [smem:$0x3FC7];
	(tm) =	ssettm $0x1  }
0x93: {  	s5 =	sld [smem:$0x3FFB];
	_ =	sdelay $0x3  }
0x94: {  	_ =	strace s5  }
0x95: {  	s5 =	sld [smem:$0x3FFC];
	_ =	sdelay $0x3  }
0x96: {  	_ =	strace s5  }
0x97: {  	s5 =	sld [smem:$0x3FFD];
	_ =	sdelay $0x3  }
0x98: {  	_ =	strace s5  }
0x99: {  	_ =	strace $0x8FFFFFFF  }
0x9a: {  	s19 =	sld [smem:$0x3FDB];
	_ =	sdelay $0x1  }
0x9b: {  	s6 =	simm.s32 $_scs_section_size  }
0x9c: {  	s7 =	simm.s32 $_size__tile_overlayer_lowered;
	s8 =	simm.s32 $_tile_overlayer_lowered  }
0x9d: {  	s22 =	simm.s32 $0x1BFF;
	s21 =	sshll.u32 s8, $0x1;
	s5 =	sadd.s32 s6, s19  }
0x9e: {  	s9 =	simm.s32 $0x0;
	s20 =	sshll.u32 s7, $0x1;
	s7 =	sadd.s32 s21, s5  }
0x9f: {  	[timem:s9], [sflag:s22] =	dma.local [hbm:s7], s20  }
0xa0: {  	_ =	swait.ge [sflag:s22], s20  }
0xa1: {  	s6 =	ssub.s32 $0x0, s20;
	[sflag:s22] =	ssyncset.done $0x0  }
0xa2: {  	[sflag:s22] =	ssyncadd.s32 s6;
	_ =	sdelay $0x1  }
0xa3: {  	s23 =	simm.s32 $0x1B8B  }
0xa4: {  	_ =	swait.ge [sflag:s23], $0x1  }
0xa5: {  	[sflag:s23] =	ssyncset.done $0x0  }
0xa6: {  	s25 =	simm.s32 $0x1B8E;
	s24 =	sld [smem:$0x3FFE];
	[sflag:s23] =	ssyncadd.s32 $0xFFFFFFFF  }
0xa7: {  	s26 =	simm.s32 $execute0_lowered;
	[smem:$0x3FD2] =	sst s25  }
0xa8: {  	s7 =	sshll.u32 s26, $0x1;
	_ =	strace $0x80000049;
	[dreg:$0x1] =	wrdreg $0xFFFFFFFF  }
0xa9: {  	s28 =	simm.s32 $_size_execute0_lowered;
	s5 =	sadd.s32 s5, s7;
	[dreg:$0x0] =	wrdreg $0x0  }
0xaa: {  	s7 =	sshll.u32 s28, $0x1;
	[dreg:$0x2] =	wrdreg s5  }
0xab: {  	[dreg:$0x3] =	wrdreg s7  }
0xac: {  	[dreg:$0x4] =	wrdreg $0xC0  }
0xad: {  	_ =	task [dreg:s9], $0x5FFFF  }
0xae: {  	[dreg:$0x1] =	wrdreg $0xFFFFFFFF  }
0xaf: {  	[dreg:$0x0] =	wrdreg $0x60  }
0xb0: {  	[dreg:$0x2] =	wrdreg s2  }
0xb1: {  	[dreg:$0x3] =	wrdreg s18  }
0xb2: {  	[dreg:$0x4] =	wrdreg s4  }
0xb3: {  	[dreg:$0x5] =	wrdreg s24  }
0xb4: {  	[dreg:$0x6] =	wrdreg $0x0  }
0xb5: {  	[dreg:$0x7] =	wrdreg $0x2780  }
0xb6: {  	[dreg:$0x8] =	wrdreg $0x9  }
0xb7: {  	_ =	task.clear_ibuf [dreg:s9], $0x9FFFF;
	_ =	strace $0x90000049  }
0xb8: {  	s29 =	simm.s32 $0x9;
	_ =	strace $0x8000004B  }
0xb9: {  	_ =	swait.ge [sflag:s29], $0x1  }
0xba: {  	[sflag:s29] =	ssyncadd.s32 $0xFFFFFFFF  }
0xbb: {  	_ =	strace $0x9000004B  }
0xbc: {  	_ =	sfence  }
0xbd: {  	s30 =	sld [smem:$0x0];
	_ =	sdelay $0x2  }
0xbe: {  	s31 =	sshll.u32 s1, $0xD;
	s1 =	sshrl.u32 s1, $0x2  }
0xbf: {  	s3 =	sand.u32 $0x4000, s31;
	s1 =	sadd.s32 s1, s30  }
0xc0: {  	s0 =	sor.u32 s3, s0;
	s1 =	sshll.u32 s1, $0x11  }
0xc1: {  	s0 =	sor.u32 s1, s0  }
0xc2: {  	s0 =	sadd.s32 $0x8F2B, s0  }
0xc3: {  	[sflag:s0] =	ssyncadd.remote.s32 $0x1  }
0xc4: {  	_ =	sfence.sel $0xFFFF  }
0xc5: {  	[dreg:$0x0] =	wrdreg $0xFFFFFFFF;
	(pc) =	sbr.abs _section_cstart, $3  }
0xc6: {  	[dreg:$0x1] =	wrdreg $0xFFFFFFFF  }
0xc7: {  	_ =	task.clear_ibuf [dreg:s9], $0x2FFFF;
	_ =	strace $0x9FFFFFFF  }
0xc8: {  	(tm) =	ssettm $0x7FFFFFFF  }
0xc9: {  	_ =	shalt  }
tec
execute0_lowered:
.L_overlay_start_1:
0x0: {  	(tag) =	ssettag $0x1  }
0x1: {  	s2 =	rddreg [dreg:$0x0]  }
0x2: {  	s12 =	rddreg [dreg:$0x1]  }
0x3: {  	s3 =	rddreg [dreg:$0x2]  }
0x4: {  	s0 =	rddreg [dreg:$0x3]  }
0x5: {  	s4 =	rddreg [dreg:$0x4]  }
0x6: {  	s5 =	rddreg [dreg:$0x5]  }
0x7: {  	s6 =	simm.s32 $0x0;
	s1 =	srdreg.scid;
	s25 =	stileid.u32  }
0x8: {  	s14 =	simm.s32 $0x3420;
	s15 =	simm.s32 $0x2;
	s16 =	simm.s32 $0x3C20  }
0x9: {  	s17 =	simm.s32 $0x3C60;
	s18 =	simm.s32 $0xCF0;
	s19 =	simm.s32 $0x3410  }
0xa: {  	s20 =	simm.s32 $0x40;
	s21 =	simm.s32 $0x3CA0;
	s22 =	simm.s32 $0x3CE0  }
0xb: {  	s23 =	simm.s32 $0x3D20;
	s24 =	simm.s32 $0x3D60;
	s28 =	simm.s32 $0x3E20  }
0xc: {  	s29 =	simm.s32 $0x3DE0;
	s30 =	simm.s32 $0x4E20;
	s31 =	simm.s32 $0x0  }
0xd: {  	v0 =	vimm.s32 $0xFFEDCBA9;
	v1 =	vimm.s32 $0x87654321;
	[smem:$0x7FF] =	sst s6;
	s1 =	sand.u32 $0x1, s1;
	s8 =	sshll.u32 s25, $0x7  }
0xe: {  	s7 =	sadd.s32 $0xC600, s0;
	v0 =	vunpack.c.l.s4.s8 v0;
	v1 =	vunpack.c.l.s4.s8 v1;
	p0 =	seq.s32 s25, $0x1;
	p1 =	sne.s32 s25, $0x0  }
0xf: {  	s25 =	simm.s32 $0x1;
	_ =	strace $0x8000004A;
	s9 =	sshll.u32 s1, $0x6  }
.Ltmp0:
0x10: {  	s1 =	ssub.s32 $0x2, s1;
	s9 =	sor.u32 s9, s8;
	v0 =	vunpack.c.0.s8.s32 v0;
	v1 =	vunpack.c.0.s8.s32 v1;
	(pc) =	sbr.rel .LBB2_1-.Ltmp0, $4  }
0x11: {  	s8 =	sadd.s32 $0x4600, s0;
	s11 =	sshrl.u32 s1, $0x1;
	s10 =	sshll.u32 s9, $0x3  }
0x12: {  	s1 =	ssub.s32 s1, s11;
	s26 =	sshrl.u32 s9, $0x3;
	s0 =	sadd.s32 s10, s0;
	v1 =	vcombine.low v1, v0  }
0x13: {  	s9 =	sadd.s32 s2, s26;
	s10 =	sadd.s32 s12, s26;
	s13 =	smax.u32 s1, $0x1  }
0x14: {  	vm0 =	vcmask $0x3F3C;
	s26 =	simm.s32 $0x3DA0;
	v0 =	vlaneseq.u32;
	s11 =	sadd.s32 $0x10C00, s0;
	s12 =	sadd.s32 $0xCC00, s0;
	v1 =	vand.u32 $0xF, v1  }
.LBB2_9:
0x15: {  	[spmem:s0] =	stream.linear.scatter [tilespmem:s18], [sflag:$0x2], $0x2720, $0x38;
	[tilespmem:$0x5E20] =	vst v63  }
0x16: {  	_ =	swait.ge [sflag:s15], $0x2720  }
0x17: {  	[sflag:s15] =	ssyncset.done $0x0  }
0x18: {  	[sflag:s15] =	ssyncadd.s32 $0xFFFFD8E0  }
.LBB2_10:
0x19: {  	[bflag:$0x0] =	sbarrier.arrive $0xFFFF  }
0x1a: {  	[tilespmem:s21], [sflag:$0x1] =	stream.indirect.gather [spmem:s4], $0x1, s16, s20, $0xb8;
	[tilespmem:$0x5E20] =	vst v63  }
0x1b: {  	_ = 	snop  }
0x1c: {  	[tilespmem:s22], [sflag:$0x1] =	stream.indirect.gather [spmem:s5], $0x1, s16, s20, $0xb8;
	[tilespmem:$0x5E20] =	vst v63  }
0x1d: {  	_ = 	snop  }
0x1e: {  	[tilespmem:s23], [sflag:$0x1] =	stream.indirect.gather [spmem:s4], $0x1, s17, s20, $0xb8;
	[tilespmem:$0x5E20] =	vst v63  }
0x1f: {  	_ = 	snop  }
0x20: {  	[tilespmem:s24], [sflag:$0x1] =	stream.indirect.gather [spmem:s5], $0x1, s17, s20, $0xb8;
	[tilespmem:$0x5E20] =	vst v63  }
0x21: {  	_ =	swait.ge [sflag:s25], $0x40  }
0x22: {  	[sflag:s25] =	ssyncset.done $0x0  }
0x23: {  	[sflag:s25] =	ssyncadd.s32 $0xFFFFFFC0  }
0x24: {  	_ =	swait.ge [sflag:s25], $0x40  }
0x25: {  	[sflag:s25] =	ssyncset.done $0x0  }
0x26: {  	[sflag:s25] =	ssyncadd.s32 $0xFFFFFFC0  }
0x27: {  	_ =	swait.ge [sflag:s25], $0x40  }
0x28: {  	[sflag:s25] =	ssyncset.done $0x0  }
0x29: {  	[sflag:s25] =	ssyncadd.s32 $0xFFFFFFC0  }
0x2a: {  	_ =	swait.ge [sflag:s25], $0x40  }
0x2b: {  	[sflag:s25] =	ssyncset.done $0x0  }
0x2c: {  	[sflag:s25] =	ssyncadd.s32 $0xFFFFFFC0  }
0x2d: {  	v2 =	vld [tilespmem:$0x3CA0]  }
0x2e: {  	v3 =	vld [tilespmem:$0x3CE0];
	_ =	sdelay $0x3  }
0x2f: {  	vm1 =	vgt.s32 v2, $0x0  }
0x30: {  	v4 =	vnsel vm1, $0x0, v2;
	vm1 =	vgt.s32 v3, $0x0  }
0x31: {  	v5 =	vnsel vm1, $0x0, v3;
	_ =	sdelay $0x1  }
0x32: {  	v6 =	vld [tilespmem:$0x3D20]  }
0x33: {  	v7 =	vld [tilespmem:$0x3D60]  }
0x34: {  	v4 =	vld.idx.msk [tilespmem:v4+s14+$0x0], $0xffff  }
0x35: {  	v5 =	vld.idx.msk [tilespmem:v5+s14+$0x0], $0xffff;
	_ =	sdelay $0x2  }
0x36: {  	v8 =	vshra.s32 v2, $0x1F;
	vm1 =	vgt.s32 v6, $0x0  }
0x37: {  	v9 =	vshra.s32 v3, $0x1F;
	v10 =	vnsel vm1, $0x0, v6;
	vm1 =	vgt.s32 v7, $0x0  }
0x38: {  	v25 =	vnsel vm1, $0x0, v7;
	v4 =	vor.u32 v4, v8;
	v5 =	vor.u32 v5, v9  }
0x39: {  	v3 =	vadd.s32 $0x800, v3;
	vm1 =	vlt.s32 v5, v4  }
0x3a: {  	v27 =	vld [tilespmem:$0x3CF0];
	v2 =	vsel vm1, v2, v3  }
0x3b: {  	[tilespmem:$0x3DA0] =	vst v2;
	v2 =	vld [tilespmem:$0x3CB0]  }
0x3c: {  	v3 =	vld.idx.msk [tilespmem:v10+s14+$0x0], $0xffff  }
0x3d: {  	v26 =	vld.idx.msk [tilespmem:v25+s14+$0x0], $0xffff;
	_ =	sdelay $0x2  }
0x3e: {  	v28 =	vshra.s32 v6, $0x1F;
	vm2 =	vgt.s32 v27, $0x0  }
0x3f: {  	v29 =	vshra.s32 v7, $0x1F;
	v31 =	vnsel vm2, $0x0, v27;
	vm1 =	vgt.s32 v2, $0x0  }
0x40: {  	v30 =	vnsel vm1, $0x0, v2;
	v3 =	vor.u32 v3, v28;
	v4 =	vor.u32 v26, v29  }
0x41: {  	vm1 =	vlt.s32 v4, v3;
	v3 =	vadd.s32 $0x800, v7  }
0x42: {  	v32 =	vld [tilespmem:$0x3D30];
	v3 =	vsel vm1, v6, v3  }
0x43: {  	v33 =	vld [tilespmem:$0x3D70];
	[tilespmem:$0x3DE0] =	vst v3  }
0x44: {  	v4 =	vld.idx.msk [tilespmem:v31+s14+$0x0], $0xffff  }
0x45: {  	v3 =	vld.idx.msk [tilespmem:v30+s14+$0x0], $0xffff;
	_ =	sdelay $0x2  }
0x46: {  	v35 =	vshra.s32 v27, $0x1F;
	vm1 =	vgt.s32 v32, $0x0  }
0x47: {  	v34 =	vshra.s32 v2, $0x1F;
	v36 =	vnsel vm1, $0x0, v32;
	vm1 =	vgt.s32 v33, $0x0  }
0x48: {  	v37 =	vnsel vm1, $0x0, v33;
	v4 =	vor.u32 v4, v35;
	v3 =	vor.u32 v3, v34  }
0x49: {  	vm1 =	vlt.s32 v4, v3;
	v3 =	vadd.s32 $0x800, v27  }
0x4a: {  	v39 =	vld [tilespmem:$0x3D00];
	v2 =	vsel vm1, v2, v3  }
0x4b: {  	[tilespmem:$0x3DB0] =	vst v2;
	v2 =	vld [tilespmem:$0x3CC0]  }
0x4c: {  	v3 =	vld.idx.msk [tilespmem:v36+s14+$0x0], $0xffff  }
0x4d: {  	v38 =	vld.idx.msk [tilespmem:v37+s14+$0x0], $0xffff;
	_ =	sdelay $0x2  }
0x4e: {  	v40 =	vshra.s32 v32, $0x1F;
	vm2 =	vgt.s32 v39, $0x0  }
0x4f: {  	v41 =	vshra.s32 v33, $0x1F;
	v43 =	vnsel vm2, $0x0, v39;
	vm1 =	vgt.s32 v2, $0x0  }
0x50: {  	v42 =	vnsel vm1, $0x0, v2;
	v3 =	vor.u32 v3, v40;
	v4 =	vor.u32 v38, v41  }
0x51: {  	vm1 =	vlt.s32 v4, v3;
	v3 =	vadd.s32 $0x800, v33  }
0x52: {  	v44 =	vld [tilespmem:$0x3D40];
	v3 =	vsel vm1, v32, v3  }
0x53: {  	v45 =	vld [tilespmem:$0x3D80];
	[tilespmem:$0x3DF0] =	vst v3  }
0x54: {  	v4 =	vld.idx.msk [tilespmem:v43+s14+$0x0], $0xffff  }
0x55: {  	v3 =	vld.idx.msk [tilespmem:v42+s14+$0x0], $0xffff;
	_ =	sdelay $0x2  }
0x56: {  	v47 =	vshra.s32 v39, $0x1F;
	vm1 =	vgt.s32 v44, $0x0  }
0x57: {  	v46 =	vshra.s32 v2, $0x1F;
	v48 =	vnsel vm1, $0x0, v44;
	vm1 =	vgt.s32 v45, $0x0  }
0x58: {  	v49 =	vnsel vm1, $0x0, v45;
	v4 =	vor.u32 v4, v47;
	v3 =	vor.u32 v3, v46  }
0x59: {  	vm1 =	vlt.s32 v4, v3;
	v3 =	vadd.s32 $0x800, v39  }
0x5a: {  	v51 =	vld [tilespmem:$0x3D10];
	v2 =	vsel vm1, v2, v3  }
0x5b: {  	[tilespmem:$0x3DC0] =	vst v2;
	v2 =	vld [tilespmem:$0x3CD0]  }
0x5c: {  	v3 =	vld.idx.msk [tilespmem:v48+s14+$0x0], $0xffff  }
0x5d: {  	v50 =	vld.idx.msk [tilespmem:v49+s14+$0x0], $0xffff;
	_ =	sdelay $0x2  }
0x5e: {  	v52 =	vshra.s32 v44, $0x1F;
	vm2 =	vgt.s32 v51, $0x0  }
0x5f: {  	v53 =	vshra.s32 v45, $0x1F;
	v55 =	vnsel vm2, $0x0, v51;
	vm1 =	vgt.s32 v2, $0x0  }
0x60: {  	v54 =	vnsel vm1, $0x0, v2;
	v3 =	vor.u32 v3, v52;
	v4 =	vor.u32 v50, v53  }
0x61: {  	vm1 =	vlt.s32 v4, v3;
	v3 =	vadd.s32 $0x800, v45  }
0x62: {  	v56 =	vld [tilespmem:$0x3D50];
	v3 =	vsel vm1, v44, v3  }
0x63: {  	v57 =	vld [tilespmem:$0x3D90];
	[tilespmem:$0x3E00] =	vst v3  }
0x64: {  	v4 =	vld.idx.msk [tilespmem:v55+s14+$0x0], $0xffff  }
0x65: {  	v3 =	vld.idx.msk [tilespmem:v54+s14+$0x0], $0xffff;
	_ =	sdelay $0x2  }
0x66: {  	v59 =	vshra.s32 v51, $0x1F;
	vm1 =	vgt.s32 v56, $0x0  }
0x67: {  	v58 =	vshra.s32 v2, $0x1F;
	v60 =	vnsel vm1, $0x0, v56;
	vm1 =	vgt.s32 v57, $0x0  }
0x68: {  	v61 =	vnsel vm1, $0x0, v57;
	v4 =	vor.u32 v4, v59;
	v3 =	vor.u32 v3, v58  }
0x69: {  	vm1 =	vlt.s32 v4, v3;
	v3 =	vadd.s32 $0x800, v51  }
0x6a: {  	v2 =	vsel vm1, v2, v3  }
0x6b: {  	[tilespmem:$0x3DD0] =	vst v2  }
0x6c: {  	v2 =	vld.idx.msk [tilespmem:v60+s14+$0x0], $0xffff  }
0x6d: {  	v3 =	vld.idx.msk [tilespmem:v61+s14+$0x0], $0xffff;
	_ =	sdelay $0x3  }
0x6e: {  	v62 =	vshra.s32 v56, $0x1F;
	v63 =	vshra.s32 v57, $0x1F  }
0x6f: {  	v2 =	vor.u32 v2, v62;
	v3 =	vor.u32 v3, v63  }
0x70: {  	vm1 =	vlt.s32 v3, v2;
	v2 =	vadd.s32 $0x800, v57  }
0x71: {  	v2 =	vsel vm1, v56, v2  }
0x72: {  	[tilespmem:$0x3E10] =	vst v2  }
0x73: {  	[tilespmem:s28], [sflag:$0x1] =	stream.indirect.gather [hbm4b:s8+s20], $0x40, s26, s20, $0xb8;
	[tilespmem:$0x5E20] =	vst v63  }
0x74: {  	_ = 	snop  }
0x75: {  	[tilespmem:s30], [sflag:$0x1] =	stream.indirect.gather [hbm4b:s8+s20], $0x40, s29, s20, $0xb8;
	[tilespmem:$0x5E20] =	vst v63  }
0x76: {  	_ =	swait.ge [sflag:s25], $0x1000  }
0x77: {  	[sflag:s25] =	ssyncset.done $0x0  }
0x78: {  	[sflag:s25] =	ssyncadd.s32 $0xFFFFF000  }
0x79: {  	_ =	swait.ge [sflag:s25], $0x1000  }
0x7a: {  	[sflag:s25] =	ssyncset.done $0x0  }
0x7b: {  	[sflag:s25] =	ssyncadd.s32 $0xFFFFF000  }
0x7c: {  	[hbm4b:s11+s6] =	stream.linear.scatter [tilespmem:s28], [sflag:$0x2], $0x1000, $0x38;
	[tilespmem:$0x5E20] =	vst v63  }
0x7d: {  	s31 =	sadd.s32 $0x1, s31;
	_ =	swait.ge [sflag:s15], $0x1000  }
0x7e: {  	p2 =	sne.s32 s31, s13;
	[sflag:s15] =	ssyncset.done $0x0  }
.Ltmp1:
0x7f: {  	[sflag:s15] =	ssyncadd.s32 $0xFFFFF000;
	(pc) =	sbr.rel @!p2 .LBB2_11-.Ltmp1, $4  }
0x80: {  	[hbm4b:s12+s6] =	stream.linear.scatter [tilespmem:s30], [sflag:$0x2], $0x1000, $0x38;
	[tilespmem:$0x5E20] =	vst v63  }
0x81: {  	_ =	swait.ge [sflag:s15], $0x1000  }
0x82: {  	[sflag:s15] =	ssyncset.done $0x0  }
0x83: {  	[sflag:s15] =	ssyncadd.s32 $0xFFFFF000  }
.LBB2_1:
0x84: {  	[tilespmem:s14], [sflag:$0x2] =	stream.linear.gather [hbm4b:s3+s6], $0x800, $0x38;
	[tilespmem:$0x5E20] =	vst v63  }
0x85: {  	_ =	swait.ge [sflag:s15], $0x800  }
0x86: {  	[sflag:s15] =	ssyncset.done $0x0  }
0x87: {  	[sflag:s15] =	ssyncadd.s32 $0xFFFFF800  }
0x88: {  	[tilespmem:s16], [sflag:$0x2] =	stream.linear.gather [hbm4b:s9+s6], $0x40, $0x38;
	[tilespmem:$0x5E20] =	vst v63  }
0x89: {  	_ =	swait.ge [sflag:s15], $0x40  }
0x8a: {  	[sflag:s15] =	ssyncset.done $0x0  }
.Ltmp2:
0x8b: {  	[sflag:s15] =	ssyncadd.s32 $0xFFFFFFC0;
	(pc) =	sbr.rel @p0 .LBB2_6-.Ltmp2, $4  }
0x8c: {  	[tilespmem:s17], [sflag:$0x2] =	stream.linear.gather [hbm4b:s10+s6], $0x40, $0x38;
	[tilespmem:$0x5E20] =	vst v63  }
0x8d: {  	_ =	swait.ge [sflag:s15], $0x40  }
0x8e: {  	[sflag:s15] =	ssyncset.done $0x0  }
0x8f: {  	[sflag:s15] =	ssyncadd.s32 $0xFFFFFFC0  }
.Ltmp3:
0x90: {  	(pc) =	sbr.rel @p1 .LBB2_10-.Ltmp3, $1  }
0x91: {  	_ =	sdelay $0x3  }
0x92: {  	s0 =	simm.s32 $0x0;
	s1 =	simm.s32 $0x4F0;
	s2 =	rddreg [dreg:$0x0]  }
0x93: {  	[tilespmem:s1], [sflag:$0x2] =	stream.linear.gather [hbm4b:s2+s0], $0x800, $0x38;
	[tilespmem:$0x5E20] =	vst v63  }
0x94: {  	_ =	swait.ge [sflag:s15], $0x800  }
0x95: {  	[sflag:s15] =	ssyncset.done $0x0  }
0x96: {  	[sflag:s15] =	ssyncadd.s32 $0xFFFFF800  }
0x97: {  	[tilespmem:s18], [sflag:$0x2] =	stream.linear.gather [hbm4b:s7+s0], $0x2720, $0x38;
	[tilespmem:$0x5E20] =	vst v63  }
0x98: {  	_ =	swait.ge [sflag:s15], $0x2720  }
0x99: {  	[sflag:s15] =	ssyncset.done $0x0  }
0x9a: {  	[sflag:s15] =	ssyncadd.s32 $0xFFFFD8E0  }
0x9b: {  	v2 =	vld [tilespmem:s1+$0x0];
	_ =	sdelay $0x4  }
0x9c: {  	v2 =	vshll.u32 v2, $0xB  }
0x9d: {  	v2 =	vadd.s32 s0, v2  }
0x9e: {  	v2 =	vadd.s32 v0, v2  }
0x9f: {  	(xrf1) =	vsort.ascd.msk.u32 $0xffff, v2, v2;
	_ =	sdelay $0xd  }
0xa0: {  	v3, _, _ =	vpop (xrf1)  }
0xa1: {  	v2 =	vshrl.u32 v3, $0xB  }
0xa2: {  	[tilespmem:$0x3410] =	vst v2  }
0xa3: {  	v4 =	vld.idx.msk [tilespmem:v1+s19+$0x0], $0xffff;
	_ =	sdelay $0x4  }
0xa4: {  	vm1 =	vne.s32 v2, v4  }
0xa5: {  	vm1 =	vmor vm1, vm0;
	_ =	sdelay $0x3  }
0xa6: {  	s0 =	simm.s32 $0x10;
	v3 =	vand.u32 $0x7FF, v3  }
.LBB2_4:
0xa7: {  	p2 =	seq.s32 s0, $0x7F0  }
0xa8: {  	[tilespmem:v2+s18+$0x0] =	vst.idx.msk vm1, v3;
	s1 =	sadd.s32 $0x10, s1;
	s2 =	smov.u32 s0;
	s0 =	sadd.s32 $0x10, s0  }
0xa9: {  	v2 =	vld [tilespmem:s1+$0x0];
	_ =	sdelay $0x4  }
0xaa: {  	v2 =	vshll.u32 v2, $0xB  }
0xab: {  	v2 =	vadd.s32 s2, v2  }
0xac: {  	v2 =	vadd.s32 v0, v2  }
0xad: {  	(xrf1) =	vsort.ascd.msk.u32 $0xffff, v2, v2;
	_ =	sdelay $0xd  }
0xae: {  	v3, _, _ =	vpop (xrf1)  }
0xaf: {  	v2 =	vshrl.u32 v3, $0xB  }
0xb0: {  	[tilespmem:$0x3410] =	vst v2  }
0xb1: {  	v4 =	vld.idx.msk [tilespmem:v1+s19+$0x0], $0xffff;
	_ =	sdelay $0x5  }
0xb2: {  	vm1 =	vne.s32 v2, v4  }
0xb3: {  	vm1 =	vmor vm1, vm0  }
.Ltmp4:
0xb4: {  	(pc) =	sbr.rel @!p2 .LBB2_4-.Ltmp4, $2  }
0xb5: {  	_ =	sdelay $0x2  }
0xb6: {  	v3 =	vand.u32 $0x7FF, v3  }
0xb7: {  	_ = 	snop  }
.Ltmp5:
0xb8: {  	_ = 	snop;
	(pc) =	sbr.rel .LBB2_9-.Ltmp5, $2  }
0xb9: {  	_ =	sdelay $0x2  }
0xba: {  	[tilespmem:v2+s18+$0x0] =	vst.idx.msk vm1, v3;
	s0 =	smov.u32 s4  }
.LBB2_6:
0xbb: {  	s0 =	simm.s32 $0x0;
	s1 =	simm.s32 $0x4F0;
	s2 =	rddreg [dreg:$0x1]  }
0xbc: {  	[tilespmem:s1], [sflag:$0x2] =	stream.linear.gather [hbm4b:s2+s0], $0x800, $0x38;
	[tilespmem:$0x5E20] =	vst v63  }
0xbd: {  	_ =	swait.ge [sflag:s15], $0x800  }
0xbe: {  	[sflag:s15] =	ssyncset.done $0x0  }
0xbf: {  	[sflag:s15] =	ssyncadd.s32 $0xFFFFF800  }
0xc0: {  	[tilespmem:s18], [sflag:$0x2] =	stream.linear.gather [hbm4b:s7+s0], $0x2720, $0x38;
	[tilespmem:$0x5E20] =	vst v63  }
0xc1: {  	_ =	swait.ge [sflag:s15], $0x2720  }
0xc2: {  	[sflag:s15] =	ssyncset.done $0x0  }
0xc3: {  	[sflag:s15] =	ssyncadd.s32 $0xFFFFD8E0  }
0xc4: {  	v2 =	vld [tilespmem:s1+$0x0];
	_ =	sdelay $0x4  }
0xc5: {  	v2 =	vshll.u32 v2, $0xB  }
0xc6: {  	v2 =	vadd.s32 s0, v2  }
0xc7: {  	v2 =	vadd.s32 v0, v2  }
0xc8: {  	(xrf1) =	vsort.ascd.msk.u32 $0xffff, v2, v2;
	_ =	sdelay $0xd  }
0xc9: {  	v3, _, _ =	vpop (xrf1)  }
0xca: {  	v2 =	vshrl.u32 v3, $0xB  }
0xcb: {  	[tilespmem:$0x3410] =	vst v2  }
0xcc: {  	v4 =	vld.idx.msk [tilespmem:v1+s19+$0x0], $0xffff;
	_ =	sdelay $0x4  }
0xcd: {  	vm1 =	vne.s32 v2, v4  }
0xce: {  	vm1 =	vmor vm1, vm0;
	_ =	sdelay $0x3  }
0xcf: {  	s0 =	simm.s32 $0x10;
	v3 =	vand.u32 $0x7FF, v3  }
.LBB2_7:
0xd0: {  	p2 =	sne.s32 s0, $0x7F0  }
0xd1: {  	[tilespmem:v2+s18+$0x0] =	vst.idx.msk vm1, v3;
	s1 =	sadd.s32 $0x10, s1;
	s2 =	smov.u32 s0;
	s0 =	sadd.s32 $0x10, s0  }
0xd2: {  	v2 =	vld [tilespmem:s1+$0x0];
	_ =	sdelay $0x4  }
0xd3: {  	v2 =	vshll.u32 v2, $0xB  }
0xd4: {  	v2 =	vadd.s32 s2, v2  }
0xd5: {  	v2 =	vadd.s32 v0, v2  }
0xd6: {  	(xrf1) =	vsort.ascd.msk.u32 $0xffff, v2, v2;
	_ =	sdelay $0xd  }
0xd7: {  	v3, _, _ =	vpop (xrf1)  }
0xd8: {  	v2 =	vshrl.u32 v3, $0xB  }
0xd9: {  	[tilespmem:$0x3410] =	vst v2  }
0xda: {  	v4 =	vld.idx.msk [tilespmem:v1+s19+$0x0], $0xffff;
	_ =	sdelay $0x5  }
0xdb: {  	vm1 =	vne.s32 v2, v4  }
0xdc: {  	vm1 =	vmor vm1, vm0  }
.Ltmp6:
0xdd: {  	(pc) =	sbr.rel @p2 .LBB2_7-.Ltmp6, $2  }
0xde: {  	_ =	sdelay $0x2  }
0xdf: {  	v3 =	vand.u32 $0x7FF, v3  }
0xe0: {  	_ = 	snop  }
.Ltmp7:
0xe1: {  	_ = 	snop;
	(pc) =	sbr.rel .LBB2_9-.Ltmp7, $2  }
0xe2: {  	_ =	sdelay $0x2  }
0xe3: {  	[tilespmem:v2+s18+$0x0] =	vst.idx.msk vm1, v3;
	s0 =	smov.u32 s5  }
.LBB2_11:
0xe4: {  	_ =	sfence.sel $0x180000  }
0xe5: {  	[bflag:$0x0] =	sbarrier.arrive $0xFFFF  }
0xe6: {  	_ =	strace $0x9000004A  }
0xe7: {  	[bflag:$0x2] =	sbarrier.arrive $0xFFFF  }
0xe8: {  	s0 =	rddreg [dreg:$0x6]  }
0xe9: {  	s0 =	sadd.s32 @!p1 $0x100000, s0  }
0xea: {  	[sflag:s0] =	ssyncadd.tile.s32 @!p1 $0x1;
	_ =	shalt  }
.Lfunc_end2:
_tile_overlayer_lowered:
.L_overlay_start_2:
0xeb: {  	(tag) =	ssettag $0x2  }
0xec: {  	s0 =	rddreg [dreg:$0x0];
	s2 =	stileid.u32  }
0xed: {  	s1 =	rddreg [dreg:$0x1];
	p0 =	sne.s32 s2, $0x0  }
0xee: {  	s3 =	rddreg [dreg:$0x2];
	[bflag:$0x3] =	sbarrier.arrive $0xFFFF;
	s2 =	simm.s32 @!p0 $0x1C02  }
0xef: {  	[timem:s3], [sflag:s2] =	dma.local @!p0 [hbm:s0], s1  }
0xf0: {  	s0 =	simm.s32 @!p0 $0x2  }
0xf1: {  	_ =	swait.ge @!p0 [sflag:s0], s1  }
0xf2: {  	s1 =	ssub.s32 @!p0 $0x0, s1;
	[sflag:s0] =	ssyncset.done @!p0 $0x0  }
0xf3: {  	[sflag:s0] =	ssyncadd.s32 @!p0 s1  }
0xf4: {  	[bflag:$0x3] =	sbarrier.arrive $0xFFFF  }
0xf5: {  	_ =	shalt  }

</sc_bundles>
